<compile_context>
chip_gen: v7x
topology: tpu7x:2x2x1
jax: 0.10.2.dev20260603
libtpu: 0.0.44.dev20260713+nightly
codegen_flags: <defaults>
</compile_context>

<pallas_src>
import functools

import jax
import jax.numpy as jnp
from jax import lax
from jax.experimental import pallas as pl
from jax.experimental.pallas import tpu as pltpu
from jax.experimental.pallas import tpu_sc as plsc

V = 1000
D = 1000
N = 51200
VPAD = 1024
DPAD = 1024
NW = 32
BPW = N // NW
CH = 16
NCH = BPW // CH
NB = 5
LANES = 16


def _logz_body(tab_ref, out_ref):
    i = pl.program_id(0)
    x = tab_ref[...]
    m = jnp.max(x, axis=-1)
    s = jnp.sum(jnp.exp(x - m[:, None]), axis=-1)
    out_ref[i, :] = jnp.log(s) + m


def _compute_logz(tablep):
    out = pl.pallas_call(
        _logz_body,
        grid=(VPAD // 128,),
        in_specs=[pl.BlockSpec((128, DPAD), lambda i: (i, 0))],
        out_specs=pl.BlockSpec((VPAD // 128, 128), lambda i: (0, 0)),
        out_shape=jax.ShapeDtypeStruct((VPAD // 128, 128), jnp.float32),
    )(tablep)
    return out.reshape(VPAD)


def _sc_body(table_hbm, flatt_hbm, idx_hbm, fidx_hbm, logz_hbm,
             out_hbm, part_hbm,
             idx_v, fidx_v, picked_v, lz_v, rows_v, part_v, *sems):
    lsem = sems[0]
    gsem = sems[1:1 + NB]
    wsem = sems[1 + NB:1 + 2 * NB]
    wid = lax.axis_index("s") * 2 + lax.axis_index("c")
    base = wid * BPW
    pltpu.sync_copy(idx_hbm.at[pl.ds(base, BPW)], idx_v)
    pltpu.sync_copy(fidx_hbm.at[pl.ds(base, BPW)], fidx_v)

    def gather(c, b, sem):
        return pltpu.make_async_copy(
            table_hbm.at[idx_v.at[pl.ds(c * CH, CH)]], rows_v.at[b], sem)

    def write(c, b, sem):
        return pltpu.make_async_copy(
            rows_v.at[b], out_hbm.at[pl.ds(base + c * CH, CH)], sem)

    for b in range(NB):
        gather(b, b, gsem[b]).start()
    pick_dma = pltpu.make_async_copy(flatt_hbm.at[fidx_v], picked_v, lsem)
    pick_dma.start()
    lz_dma = pltpu.make_async_copy(logz_hbm.at[idx_v], lz_v, lsem)
    lz_dma.start()

    def outer(gg, carry):
        for b in range(NB):
            c = gg * NB + b
            gather(c, b, gsem[b]).wait()
            write(c, b, wsem[b]).start()

            @pl.when(c + NB < NCH)
            def _():
                write(c, b, wsem[b]).wait()
                gather(c + NB, b, gsem[b]).start()
        return carry

    lax.fori_loop(0, NCH // NB, outer, 0)
    for b in range(NB):
        write(NCH - NB + b, b, wsem[b]).wait()

    pick_dma.wait()
    lz_dma.wait()

    def lacc(k, acc):
        off = k * LANES
        return acc + (lz_v[pl.ds(off, LANES)] - picked_v[pl.ds(off, LANES)])

    acc = lax.fori_loop(0, BPW // LANES, lacc,
                        jnp.zeros((LANES,), jnp.float32))
    part_v[...] = acc
    pltpu.sync_copy(part_v, part_hbm.at[wid])


def _sc_call(tablez, flatt, idx_flat, fidx_flat, logz):
    mesh = plsc.VectorSubcoreMesh(core_axis_name="c", subcore_axis_name="s")
    f = functools.partial(
        pl.kernel,
        out_type=(jax.ShapeDtypeStruct((N, DPAD), jnp.float32),
                  jax.ShapeDtypeStruct((NW, LANES), jnp.float32)),
        mesh=mesh,
        scratch_types=[
            pltpu.VMEM((BPW,), jnp.int32),
            pltpu.VMEM((BPW,), jnp.int32),
            pltpu.VMEM((BPW,), jnp.float32),
            pltpu.VMEM((BPW,), jnp.float32),
            pltpu.VMEM((NB, CH, DPAD), jnp.float32),
            pltpu.VMEM((LANES,), jnp.float32),
        ] + [pltpu.SemaphoreType.DMA] * (1 + 2 * NB),
    )(_sc_body)
    return f(tablez, flatt, idx_flat, fidx_flat, logz)


def kernel(idx, targets, table):
    idx_flat = idx.reshape(N).astype(jnp.int32)
    tgt_flat = targets.reshape(N).astype(jnp.int32)
    fidx_flat = tgt_flat * V + idx_flat

    tablep = jnp.pad(table, ((0, VPAD - V), (0, DPAD - D)),
                     constant_values=float("-inf"))
    logz = _compute_logz(tablep)
    flatt = table.T.reshape(V * D)

    outp, parts = _sc_call(tablep, flatt, idx_flat, fidx_flat, logz)

    logits2 = outp[:, :D]
    loss = jnp.sum(parts) / N
    return (logits2, loss)

# --- scband reference (transcript-rebuilt; emitter-appended) ---
"""Pipeline reference for scband-bigram-language-model-32229434589403 (READ-ONLY COPY).

The authoritative reference and input builder live on the scoring server;
editing this copy changes nothing except your own understanding.
"""

import jax, jax.numpy as jnp
import numpy as np

VOCAB = 1000
B = 1024
T = 50

def setup_inputs(seed: int = 0) -> dict:
    key = jax.random.key(seed)
    k1, k2, k3 = jax.random.split(key, 3)
    idx = jax.random.randint(k1, (B, T), 0, VOCAB, dtype=jnp.int64 if jax.config.jax_enable_x64 else jnp.int32)
    targets = jax.random.randint(k2, (B, T), 0, VOCAB, dtype=jnp.int64 if jax.config.jax_enable_x64 else jnp.int32)
    table = jax.random.normal(k3, (VOCAB, VOCAB), dtype=jnp.float32)
    return {"idx": idx, "targets": targets, "table": table}

def reference(idx, targets, table):
    # logits = token_embedding_table(idx)  -> [B, T, C] via row gather
    logits = jnp.take(table, idx, axis=0)
    Bb, Tt, C = logits.shape
    logits2 = logits.reshape(Bb * Tt, C)
    tflat = targets.reshape(Bb * Tt)
    # F.cross_entropy with mean reduction
    logZ = jax.nn.logsumexp(logits2, axis=-1)
    picked = jnp.take_along_axis(logits2, tflat[:, None], axis=1)[:, 0]
    loss = jnp.mean(logZ - picked)
    return (logits2, loss)

if __name__ == "__main__":
    import jax
    _d = setup_inputs()
    print(jax.jit(kernel)(*tuple(_d.values())))

</pallas_src>

<mosaic_0001>
#map = affine_map<(d0, d1) -> (0, 0)>
#map1 = affine_map<(d0, d1) -> (0)>
module attributes {stable_mosaic.version = 14 : i64} {
  func.func @_sc_body(%arg0: i32, %arg1: i32, %arg2: memref<1024x1024xf32, #tpu.memory_space<hbm>>, %arg3: memref<1000000xf32, #tpu.memory_space<hbm>>, %arg4: memref<51200xi32, #tpu.memory_space<hbm>>, %arg5: memref<51200xi32, #tpu.memory_space<hbm>>, %arg6: memref<1024xf32, #tpu.memory_space<hbm>>, %arg7: memref<51200x1024xf32, #tpu.memory_space<hbm>>, %arg8: memref<32x16xf32, #tpu.memory_space<hbm>>, %arg9: memref<1600xi32, #tpu.memory_space<vmem>>, %arg10: memref<1600xi32, #tpu.memory_space<vmem>>, %arg11: memref<1600xf32, #tpu.memory_space<vmem>>, %arg12: memref<1600xf32, #tpu.memory_space<vmem>>, %arg13: memref<5x16x1024xf32, #tpu.memory_space<vmem>>, %arg14: memref<16xf32, #tpu.memory_space<vmem>>, %arg15: memref<!tpu.dma_semaphore, #tpu.memory_space<semaphore_mem>>, %arg16: memref<!tpu.dma_semaphore, #tpu.memory_space<semaphore_mem>>, %arg17: memref<!tpu.dma_semaphore, #tpu.memory_space<semaphore_mem>>, %arg18: memref<!tpu.dma_semaphore, #tpu.memory_space<semaphore_mem>>, %arg19: memref<!tpu.dma_semaphore, #tpu.memory_space<semaphore_mem>>, %arg20: memref<!tpu.dma_semaphore, #tpu.memory_space<semaphore_mem>>, %arg21: memref<!tpu.dma_semaphore, #tpu.memory_space<semaphore_mem>>, %arg22: memref<!tpu.dma_semaphore, #tpu.memory_space<semaphore_mem>>, %arg23: memref<!tpu.dma_semaphore, #tpu.memory_space<semaphore_mem>>, %arg24: memref<!tpu.dma_semaphore, #tpu.memory_space<semaphore_mem>>, %arg25: memref<!tpu.dma_semaphore, #tpu.memory_space<semaphore_mem>>) attributes {dimension_semantics = [#tpu.dimension_semantics<core_parallel>, #tpu.dimension_semantics<subcore_parallel>], iteration_bounds = array<i64: 2, 16>, scalar_prefetch = 0 : i64, scratch_operands = 17 : i64, tpu.core_type = #tpu.core_type<sc_vector_subcore>, window_params = [{transform_indices = #map}, {transform_indices = #map1}, {transform_indices = #map1}, {transform_indices = #map1}, {transform_indices = #map1}, {transform_indices = #map}, {transform_indices = #map}]} {
    %mul3A = arith.constant 2 : i32
    %mul3A_0 = arith.muli %arg1, %mul3A : i32
    %add3A = arith.addi %mul3A_0, %arg0 : i32
    %mul3A_1 = arith.constant 1600 : i32
    %mul3A_2 = arith.muli %add3A, %mul3A_1 : i32
    "tpu.region"() ({
      %run_scoped3A = tpu.sem_alloc : memref<!tpu.dma_semaphore, #tpu.memory_space<semaphore_mem>>
      %dma_start3A_149 = tpu.memref_slice %arg4[%mul3A_2] : memref<51200xi32, #tpu.memory_space<hbm>> -> memref<1600xi32, #tpu.memory_space<hbm>>
      %dma_start3A_150 = tpu.memref_slice %arg4[%mul3A_2] : memref<51200xi32, #tpu.memory_space<hbm>> -> memref<1600xi32, #tpu.memory_space<hbm>>
      tpu.enqueue_dma source(%dma_start3A_150 : memref<1600xi32, #tpu.memory_space<hbm>>) target(%arg9 : memref<1600xi32, #tpu.memory_space<vmem>>) target_semaphore(%run_scoped3A : memref<!tpu.dma_semaphore, #tpu.memory_space<semaphore_mem>>)
      %dma_wait3A_151 = tpu.memref_slice %arg4[%mul3A_2] : memref<51200xi32, #tpu.memory_space<hbm>> -> memref<1600xi32, #tpu.memory_space<hbm>>
      %dma_wait3A_152 = tpu.memref_slice %arg4[%mul3A_2] : memref<51200xi32, #tpu.memory_space<hbm>> -> memref<1600xi32, #tpu.memory_space<hbm>>
      tpu.wait_dma2 semaphore(%run_scoped3A : memref<!tpu.dma_semaphore, #tpu.memory_space<semaphore_mem>>) src(%dma_wait3A_152 : memref<1600xi32, #tpu.memory_space<hbm>>) dst(%arg9 : memref<1600xi32, #tpu.memory_space<vmem>>)
      tpu.yield
    }) : () -> ()
    "tpu.region"() ({
      %run_scoped3A = tpu.sem_alloc : memref<!tpu.dma_semaphore, #tpu.memory_space<semaphore_mem>>
      %dma_start3A_149 = tpu.memref_slice %arg5[%mul3A_2] : memref<51200xi32, #tpu.memory_space<hbm>> -> memref<1600xi32, #tpu.memory_space<hbm>>
      %dma_start3A_150 = tpu.memref_slice %arg5[%mul3A_2] : memref<51200xi32, #tpu.memory_space<hbm>> -> memref<1600xi32, #tpu.memory_space<hbm>>
      tpu.enqueue_dma source(%dma_start3A_150 : memref<1600xi32, #tpu.memory_space<hbm>>) target(%arg10 : memref<1600xi32, #tpu.memory_space<vmem>>) target_semaphore(%run_scoped3A : memref<!tpu.dma_semaphore, #tpu.memory_space<semaphore_mem>>)
      %dma_wait3A_151 = tpu.memref_slice %arg5[%mul3A_2] : memref<51200xi32, #tpu.memory_space<hbm>> -> memref<1600xi32, #tpu.memory_space<hbm>>
      %dma_wait3A_152 = tpu.memref_slice %arg5[%mul3A_2] : memref<51200xi32, #tpu.memory_space<hbm>> -> memref<1600xi32, #tpu.memory_space<hbm>>
      tpu.wait_dma2 semaphore(%run_scoped3A : memref<!tpu.dma_semaphore, #tpu.memory_space<semaphore_mem>>) src(%dma_wait3A_152 : memref<1600xi32, #tpu.memory_space<hbm>>) dst(%arg10 : memref<1600xi32, #tpu.memory_space<vmem>>)
      tpu.yield
    }) : () -> ()
    %dma_start3A = arith.constant 0 : i32
    %dma_start3A_3 = arith.constant 0 : i32
    %dma_start3A_4 = arith.constant 0 : i32
    %dma_start3A_5 = tpu.memref_slice %arg13[%dma_start3A, %dma_start3A_3, %dma_start3A_4] : memref<5x16x1024xf32, #tpu.memory_space<vmem>> -> memref<1x16x1024xf32, #tpu.memory_space<vmem>>
    %dma_start3A_6 = tpu.memref_squeeze %dma_start3A_5 : memref<1x16x1024xf32, #tpu.memory_space<vmem>> -> memref<16x1024xf32, #tpu.memory_space<vmem>>
    %dma_start3A_7 = arith.constant 0 : i32
    %dma_start3A_8 = tpu.memref_slice %arg9[%dma_start3A_7] : memref<1600xi32, #tpu.memory_space<vmem>> -> memref<16xi32, #tpu.memory_space<vmem>>
    %dma_start3A_9 = arith.constant 0 : i32
    %dma_start3A_10 = arith.constant 0 : i32
    %dma_start3A_11 = tpu.memref_slice %arg2[%dma_start3A_9, %dma_start3A_10] : memref<1024x1024xf32, #tpu.memory_space<hbm>> -> memref<1024x1024xf32, #tpu.memory_space<hbm>>
    tpu.enqueue_indirect_dma source(%dma_start3A_11 : memref<1024x1024xf32, #tpu.memory_space<hbm>>) target(%dma_start3A_6 : memref<16x1024xf32, #tpu.memory_space<vmem>>) offsets(%dma_start3A_8 : memref<16xi32, #tpu.memory_space<vmem>>) semaphore(%arg16 : memref<!tpu.dma_semaphore, #tpu.memory_space<semaphore_mem>>)
    %dma_start3A_12 = arith.constant 1 : i32
    %dma_start3A_13 = arith.constant 0 : i32
    %dma_start3A_14 = arith.constant 0 : i32
    %dma_start3A_15 = tpu.memref_slice %arg13[%dma_start3A_12, %dma_start3A_13, %dma_start3A_14] : memref<5x16x1024xf32, #tpu.memory_space<vmem>> -> memref<1x16x1024xf32, #tpu.memory_space<vmem>>
    %dma_start3A_16 = tpu.memref_squeeze %dma_start3A_15 : memref<1x16x1024xf32, #tpu.memory_space<vmem>> -> memref<16x1024xf32, #tpu.memory_space<vmem>>
    %dma_start3A_17 = arith.constant 16 : i32
    %dma_start3A_18 = tpu.memref_slice %arg9[%dma_start3A_17] : memref<1600xi32, #tpu.memory_space<vmem>> -> memref<16xi32, #tpu.memory_space<vmem>>
    %dma_start3A_19 = arith.constant 0 : i32
    %dma_start3A_20 = arith.constant 0 : i32
    %dma_start3A_21 = tpu.memref_slice %arg2[%dma_start3A_19, %dma_start3A_20] : memref<1024x1024xf32, #tpu.memory_space<hbm>> -> memref<1024x1024xf32, #tpu.memory_space<hbm>>
    tpu.enqueue_indirect_dma source(%dma_start3A_21 : memref<1024x1024xf32, #tpu.memory_space<hbm>>) target(%dma_start3A_16 : memref<16x1024xf32, #tpu.memory_space<vmem>>) offsets(%dma_start3A_18 : memref<16xi32, #tpu.memory_space<vmem>>) semaphore(%arg17 : memref<!tpu.dma_semaphore, #tpu.memory_space<semaphore_mem>>)
    %dma_start3A_22 = arith.constant 2 : i32
    %dma_start3A_23 = arith.constant 0 : i32
    %dma_start3A_24 = arith.constant 0 : i32
    %dma_start3A_25 = tpu.memref_slice %arg13[%dma_start3A_22, %dma_start3A_23, %dma_start3A_24] : memref<5x16x1024xf32, #tpu.memory_space<vmem>> -> memref<1x16x1024xf32, #tpu.memory_space<vmem>>
    %dma_start3A_26 = tpu.memref_squeeze %dma_start3A_25 : memref<1x16x1024xf32, #tpu.memory_space<vmem>> -> memref<16x1024xf32, #tpu.memory_space<vmem>>
    %dma_start3A_27 = arith.constant 32 : i32
    %dma_start3A_28 = tpu.memref_slice %arg9[%dma_start3A_27] : memref<1600xi32, #tpu.memory_space<vmem>> -> memref<16xi32, #tpu.memory_space<vmem>>
    %dma_start3A_29 = arith.constant 0 : i32
    %dma_start3A_30 = arith.constant 0 : i32
    %dma_start3A_31 = tpu.memref_slice %arg2[%dma_start3A_29, %dma_start3A_30] : memref<1024x1024xf32, #tpu.memory_space<hbm>> -> memref<1024x1024xf32, #tpu.memory_space<hbm>>
    tpu.enqueue_indirect_dma source(%dma_start3A_31 : memref<1024x1024xf32, #tpu.memory_space<hbm>>) target(%dma_start3A_26 : memref<16x1024xf32, #tpu.memory_space<vmem>>) offsets(%dma_start3A_28 : memref<16xi32, #tpu.memory_space<vmem>>) semaphore(%arg18 : memref<!tpu.dma_semaphore, #tpu.memory_space<semaphore_mem>>)
    %dma_start3A_32 = arith.constant 3 : i32
    %dma_start3A_33 = arith.constant 0 : i32
    %dma_start3A_34 = arith.constant 0 : i32
    %dma_start3A_35 = tpu.memref_slice %arg13[%dma_start3A_32, %dma_start3A_33, %dma_start3A_34] : memref<5x16x1024xf32, #tpu.memory_space<vmem>> -> memref<1x16x1024xf32, #tpu.memory_space<vmem>>
    %dma_start3A_36 = tpu.memref_squeeze %dma_start3A_35 : memref<1x16x1024xf32, #tpu.memory_space<vmem>> -> memref<16x1024xf32, #tpu.memory_space<vmem>>
    %dma_start3A_37 = arith.constant 48 : i32
    %dma_start3A_38 = tpu.memref_slice %arg9[%dma_start3A_37] : memref<1600xi32, #tpu.memory_space<vmem>> -> memref<16xi32, #tpu.memory_space<vmem>>
    %dma_start3A_39 = arith.constant 0 : i32
    %dma_start3A_40 = arith.constant 0 : i32
    %dma_start3A_41 = tpu.memref_slice %arg2[%dma_start3A_39, %dma_start3A_40] : memref<1024x1024xf32, #tpu.memory_space<hbm>> -> memref<1024x1024xf32, #tpu.memory_space<hbm>>
    tpu.enqueue_indirect_dma source(%dma_start3A_41 : memref<1024x1024xf32, #tpu.memory_space<hbm>>) target(%dma_start3A_36 : memref<16x1024xf32, #tpu.memory_space<vmem>>) offsets(%dma_start3A_38 : memref<16xi32, #tpu.memory_space<vmem>>) semaphore(%arg19 : memref<!tpu.dma_semaphore, #tpu.memory_space<semaphore_mem>>)
    %dma_start3A_42 = arith.constant 4 : i32
    %dma_start3A_43 = arith.constant 0 : i32
    %dma_start3A_44 = arith.constant 0 : i32
    %dma_start3A_45 = tpu.memref_slice %arg13[%dma_start3A_42, %dma_start3A_43, %dma_start3A_44] : memref<5x16x1024xf32, #tpu.memory_space<vmem>> -> memref<1x16x1024xf32, #tpu.memory_space<vmem>>
    %dma_start3A_46 = tpu.memref_squeeze %dma_start3A_45 : memref<1x16x1024xf32, #tpu.memory_space<vmem>> -> memref<16x1024xf32, #tpu.memory_space<vmem>>
    %dma_start3A_47 = arith.constant 64 : i32
    %dma_start3A_48 = tpu.memref_slice %arg9[%dma_start3A_47] : memref<1600xi32, #tpu.memory_space<vmem>> -> memref<16xi32, #tpu.memory_space<vmem>>
    %dma_start3A_49 = arith.constant 0 : i32
    %dma_start3A_50 = arith.constant 0 : i32
    %dma_start3A_51 = tpu.memref_slice %arg2[%dma_start3A_49, %dma_start3A_50] : memref<1024x1024xf32, #tpu.memory_space<hbm>> -> memref<1024x1024xf32, #tpu.memory_space<hbm>>
    tpu.enqueue_indirect_dma source(%dma_start3A_51 : memref<1024x1024xf32, #tpu.memory_space<hbm>>) target(%dma_start3A_46 : memref<16x1024xf32, #tpu.memory_space<vmem>>) offsets(%dma_start3A_48 : memref<16xi32, #tpu.memory_space<vmem>>) semaphore(%arg20 : memref<!tpu.dma_semaphore, #tpu.memory_space<semaphore_mem>>)
    %dma_start3A_52 = arith.constant 0 : i32
    %dma_start3A_53 = tpu.memref_slice %arg3[%dma_start3A_52] : memref<1000000xf32, #tpu.memory_space<hbm>> -> memref<1000000xf32, #tpu.memory_space<hbm>>
    tpu.enqueue_indirect_dma source(%dma_start3A_53 : memref<1000000xf32, #tpu.memory_space<hbm>>) target(%arg11 : memref<1600xf32, #tpu.memory_space<vmem>>) offsets(%arg10 : memref<1600xi32, #tpu.memory_space<vmem>>) semaphore(%arg15 : memref<!tpu.dma_semaphore, #tpu.memory_space<semaphore_mem>>)
    %dma_start3A_54 = arith.constant 0 : i32
    %dma_start3A_55 = tpu.memref_slice %arg6[%dma_start3A_54] : memref<1024xf32, #tpu.memory_space<hbm>> -> memref<1024xf32, #tpu.memory_space<hbm>>
    tpu.enqueue_indirect_dma source(%dma_start3A_55 : memref<1024xf32, #tpu.memory_space<hbm>>) target(%arg12 : memref<1600xf32, #tpu.memory_space<vmem>>) offsets(%arg9 : memref<1600xi32, #tpu.memory_space<vmem>>) semaphore(%arg15 : memref<!tpu.dma_semaphore, #tpu.memory_space<semaphore_mem>>)
    %scan3A = arith.constant 0 : i32
    %scan3A_56 = arith.constant 0 : i32
    %scan3A_57 = arith.constant 20 : i32
    %scan3A_58 = arith.addi %scan3A_56, %scan3A_57 : i32
    %scan3A_59 = arith.constant 1 : i32
    scf.for %scan3A_149 = %scan3A_56 to %scan3A_58 step %scan3A_59  : i32 {
      %mul3A_150 = arith.constant 5 : i32
      %mul3A_151 = arith.muli %scan3A_149, %mul3A_150 : i32
      %add3A_152 = arith.constant 0 : i32
      %add3A_153 = arith.addi %mul3A_151, %add3A_152 : i32
      %mul3A_154 = arith.constant 16 : i32
      %mul3A_155 = arith.muli %add3A_153, %mul3A_154 : i32
      %dma_wait3A_156 = arith.constant 0 : i32
      %dma_wait3A_157 = arith.constant 0 : i32
      %dma_wait3A_158 = arith.constant 0 : i32
      %dma_wait3A_159 = tpu.memref_slice %arg13[%dma_wait3A_156, %dma_wait3A_157, %dma_wait3A_158] : memref<5x16x1024xf32, #tpu.memory_space<vmem>> -> memref<1x16x1024xf32, #tpu.memory_space<vmem>>
      %dma_wait3A_160 = tpu.memref_squeeze %dma_wait3A_159 : memref<1x16x1024xf32, #tpu.memory_space<vmem>> -> memref<16x1024xf32, #tpu.memory_space<vmem>>
      %dma_wait3A_161 = tpu.memref_slice %arg9[%mul3A_155] : memref<1600xi32, #tpu.memory_space<vmem>> -> memref<16xi32, #tpu.memory_space<vmem>>
      %dma_wait3A_162 = arith.constant 0 : i32
      %dma_wait3A_163 = arith.constant 0 : i32
      %dma_wait3A_164 = tpu.memref_slice %arg2[%dma_wait3A_162, %dma_wait3A_163] : memref<1024x1024xf32, #tpu.memory_space<hbm>> -> memref<1024x1024xf32, #tpu.memory_space<hbm>>
      tpu.wait_indirect_dma semaphore(%arg16 : memref<!tpu.dma_semaphore, #tpu.memory_space<semaphore_mem>>) src(%dma_wait3A_164 : memref<1024x1024xf32, #tpu.memory_space<hbm>>) dst(%dma_wait3A_160 : memref<16x1024xf32, #tpu.memory_space<vmem>>)
      %mul3A_165 = arith.constant 16 : i32
      %mul3A_166 = arith.muli %add3A_153, %mul3A_165 : i32
      %add3A_167 = arith.addi %mul3A_2, %mul3A_166 : i32
      %dma_start3A_168 = arith.constant 0 : i32
      %dma_start3A_169 = arith.constant 0 : i32
      %dma_start3A_170 = arith.constant 0 : i32
      %dma_start3A_171 = tpu.memref_slice %arg13[%dma_start3A_168, %dma_start3A_169, %dma_start3A_170] : memref<5x16x1024xf32, #tpu.memory_space<vmem>> -> memref<1x16x1024xf32, #tpu.memory_space<vmem>>
      %dma_start3A_172 = tpu.memref_squeeze %dma_start3A_171 : memref<1x16x1024xf32, #tpu.memory_space<vmem>> -> memref<16x1024xf32, #tpu.memory_space<vmem>>
      %dma_start3A_173 = arith.constant 0 : i32
      %dma_start3A_174 = tpu.memref_slice %arg7[%add3A_167, %dma_start3A_173] : memref<51200x1024xf32, #tpu.memory_space<hbm>> -> memref<16x1024xf32, #tpu.memory_space<hbm>>
      %dma_start3A_175 = arith.constant 0 : i32
      %dma_start3A_176 = tpu.memref_slice %arg7[%add3A_167, %dma_start3A_175] : memref<51200x1024xf32, #tpu.memory_space<hbm>> -> memref<16x1024xf32, #tpu.memory_space<hbm>>
      %dma_start3A_177 = arith.constant 0 : i32
      %dma_start3A_178 = arith.constant 0 : i32
      %dma_start3A_179 = tpu.memref_slice %arg13[%dma_start3A_168, %dma_start3A_177, %dma_start3A_178] : memref<5x16x1024xf32, #tpu.memory_space<vmem>> -> memref<1x16x1024xf32, #tpu.memory_space<vmem>>
      %dma_start3A_180 = tpu.memref_squeeze %dma_start3A_179 : memref<1x16x1024xf32, #tpu.memory_space<vmem>> -> memref<16x1024xf32, #tpu.memory_space<vmem>>
      tpu.enqueue_dma source(%dma_start3A_180 : memref<16x1024xf32, #tpu.memory_space<vmem>>) target(%dma_start3A_176 : memref<16x1024xf32, #tpu.memory_space<hbm>>) target_semaphore(%arg21 : memref<!tpu.dma_semaphore, #tpu.memory_space<semaphore_mem>>)
      %add3A_181 = arith.constant 5 : i32
      %add3A_182 = arith.addi %add3A_153, %add3A_181 : i32
      %lt3A = arith.constant 100 : i32
      %lt3A_183 = arith.cmpi slt, %add3A_182, %lt3A : i32
      %convert_element_type3A = arith.extui %lt3A_183 : i1 to i32
      %cond3A = arith.constant 0 : i32
      %cond3A_184 = arith.cmpi ne, %convert_element_type3A, %cond3A : i32
      scf.if %cond3A_184 {
        %mul3A_337 = arith.constant 16 : i32
        %mul3A_338 = arith.muli %add3A_153, %mul3A_337 : i32
        %add3A_339 = arith.addi %mul3A_2, %mul3A_338 : i32
        %dma_wait3A_340 = arith.constant 0 : i32
        %dma_wait3A_341 = arith.constant 0 : i32
        %dma_wait3A_342 = arith.constant 0 : i32
        %dma_wait3A_343 = tpu.memref_slice %arg13[%dma_wait3A_340, %dma_wait3A_341, %dma_wait3A_342] : memref<5x16x1024xf32, #tpu.memory_space<vmem>> -> memref<1x16x1024xf32, #tpu.memory_space<vmem>>
        %dma_wait3A_344 = tpu.memref_squeeze %dma_wait3A_343 : memref<1x16x1024xf32, #tpu.memory_space<vmem>> -> memref<16x1024xf32, #tpu.memory_space<vmem>>
        %dma_wait3A_345 = arith.constant 0 : i32
        %dma_wait3A_346 = tpu.memref_slice %arg7[%add3A_339, %dma_wait3A_345] : memref<51200x1024xf32, #tpu.memory_space<hbm>> -> memref<16x1024xf32, #tpu.memory_space<hbm>>
        %dma_wait3A_347 = arith.constant 0 : i32
        %dma_wait3A_348 = tpu.memref_slice %arg7[%add3A_339, %dma_wait3A_347] : memref<51200x1024xf32, #tpu.memory_space<hbm>> -> memref<16x1024xf32, #tpu.memory_space<hbm>>
        %dma_wait3A_349 = arith.constant 0 : i32
        %dma_wait3A_350 = arith.constant 0 : i32
        %dma_wait3A_351 = tpu.memref_slice %arg13[%dma_wait3A_340, %dma_wait3A_349, %dma_wait3A_350] : memref<5x16x1024xf32, #tpu.memory_space<vmem>> -> memref<1x16x1024xf32, #tpu.memory_space<vmem>>
        %dma_wait3A_352 = tpu.memref_squeeze %dma_wait3A_351 : memref<1x16x1024xf32, #tpu.memory_space<vmem>> -> memref<16x1024xf32, #tpu.memory_space<vmem>>
        tpu.wait_dma2 semaphore(%arg21 : memref<!tpu.dma_semaphore, #tpu.memory_space<semaphore_mem>>) src(%dma_wait3A_352 : memref<16x1024xf32, #tpu.memory_space<vmem>>) dst(%dma_wait3A_348 : memref<16x1024xf32, #tpu.memory_space<hbm>>)
        %add3A_353 = arith.constant 5 : i32
        %add3A_354 = arith.addi %add3A_153, %add3A_353 : i32
        %mul3A_355 = arith.constant 16 : i32
        %mul3A_356 = arith.muli %add3A_354, %mul3A_355 : i32
        %dma_start3A_357 = arith.constant 0 : i32
        %dma_start3A_358 = arith.constant 0 : i32
        %dma_start3A_359 = arith.constant 0 : i32
        %dma_start3A_360 = tpu.memref_slice %arg13[%dma_start3A_357, %dma_start3A_358, %dma_start3A_359] : memref<5x16x1024xf32, #tpu.memory_space<vmem>> -> memref<1x16x1024xf32, #tpu.memory_space<vmem>>
        %dma_start3A_361 = tpu.memref_squeeze %dma_start3A_360 : memref<1x16x1024xf32, #tpu.memory_space<vmem>> -> memref<16x1024xf32, #tpu.memory_space<vmem>>
        %dma_start3A_362 = tpu.memref_slice %arg9[%mul3A_356] : memref<1600xi32, #tpu.memory_space<vmem>> -> memref<16xi32, #tpu.memory_space<vmem>>
        %dma_start3A_363 = arith.constant 0 : i32
        %dma_start3A_364 = arith.constant 0 : i32
        %dma_start3A_365 = tpu.memref_slice %arg2[%dma_start3A_363, %dma_start3A_364] : memref<1024x1024xf32, #tpu.memory_space<hbm>> -> memref<1024x1024xf32, #tpu.memory_space<hbm>>
        tpu.enqueue_indirect_dma source(%dma_start3A_365 : memref<1024x1024xf32, #tpu.memory_space<hbm>>) target(%dma_start3A_361 : memref<16x1024xf32, #tpu.memory_space<vmem>>) offsets(%dma_start3A_362 : memref<16xi32, #tpu.memory_space<vmem>>) semaphore(%arg16 : memref<!tpu.dma_semaphore, #tpu.memory_space<semaphore_mem>>)
      } else {
      }
      %mul3A_185 = arith.constant 5 : i32
      %mul3A_186 = arith.muli %scan3A_149, %mul3A_185 : i32
      %add3A_187 = arith.constant 1 : i32
      %add3A_188 = arith.addi %mul3A_186, %add3A_187 : i32
      %mul3A_189 = arith.constant 16 : i32
      %mul3A_190 = arith.muli %add3A_188, %mul3A_189 : i32
      %dma_wait3A_191 = arith.constant 1 : i32
      %dma_wait3A_192 = arith.constant 0 : i32
      %dma_wait3A_193 = arith.constant 0 : i32
      %dma_wait3A_194 = tpu.memref_slice %arg13[%dma_wait3A_191, %dma_wait3A_192, %dma_wait3A_193] : memref<5x16x1024xf32, #tpu.memory_space<vmem>> -> memref<1x16x1024xf32, #tpu.memory_space<vmem>>
      %dma_wait3A_195 = tpu.memref_squeeze %dma_wait3A_194 : memref<1x16x1024xf32, #tpu.memory_space<vmem>> -> memref<16x1024xf32, #tpu.memory_space<vmem>>
      %dma_wait3A_196 = tpu.memref_slice %arg9[%mul3A_190] : memref<1600xi32, #tpu.memory_space<vmem>> -> memref<16xi32, #tpu.memory_space<vmem>>
      %dma_wait3A_197 = arith.constant 0 : i32
      %dma_wait3A_198 = arith.constant 0 : i32
      %dma_wait3A_199 = tpu.memref_slice %arg2[%dma_wait3A_197, %dma_wait3A_198] : memref<1024x1024xf32, #tpu.memory_space<hbm>> -> memref<1024x1024xf32, #tpu.memory_space<hbm>>
      tpu.wait_indirect_dma semaphore(%arg17 : memref<!tpu.dma_semaphore, #tpu.memory_space<semaphore_mem>>) src(%dma_wait3A_199 : memref<1024x1024xf32, #tpu.memory_space<hbm>>) dst(%dma_wait3A_195 : memref<16x1024xf32, #tpu.memory_space<vmem>>)
      %mul3A_200 = arith.constant 16 : i32
      %mul3A_201 = arith.muli %add3A_188, %mul3A_200 : i32
      %add3A_202 = arith.addi %mul3A_2, %mul3A_201 : i32
      %dma_start3A_203 = arith.constant 1 : i32
      %dma_start3A_204 = arith.constant 0 : i32
      %dma_start3A_205 = arith.constant 0 : i32
      %dma_start3A_206 = tpu.memref_slice %arg13[%dma_start3A_203, %dma_start3A_204, %dma_start3A_205] : memref<5x16x1024xf32, #tpu.memory_space<vmem>> -> memref<1x16x1024xf32, #tpu.memory_space<vmem>>
      %dma_start3A_207 = tpu.memref_squeeze %dma_start3A_206 : memref<1x16x1024xf32, #tpu.memory_space<vmem>> -> memref<16x1024xf32, #tpu.memory_space<vmem>>
      %dma_start3A_208 = arith.constant 0 : i32
      %dma_start3A_209 = tpu.memref_slice %arg7[%add3A_202, %dma_start3A_208] : memref<51200x1024xf32, #tpu.memory_space<hbm>> -> memref<16x1024xf32, #tpu.memory_space<hbm>>
      %dma_start3A_210 = arith.constant 0 : i32
      %dma_start3A_211 = tpu.memref_slice %arg7[%add3A_202, %dma_start3A_210] : memref<51200x1024xf32, #tpu.memory_space<hbm>> -> memref<16x1024xf32, #tpu.memory_space<hbm>>
      %dma_start3A_212 = arith.constant 0 : i32
      %dma_start3A_213 = arith.constant 0 : i32
      %dma_start3A_214 = tpu.memref_slice %arg13[%dma_start3A_203, %dma_start3A_212, %dma_start3A_213] : memref<5x16x1024xf32, #tpu.memory_space<vmem>> -> memref<1x16x1024xf32, #tpu.memory_space<vmem>>
      %dma_start3A_215 = tpu.memref_squeeze %dma_start3A_214 : memref<1x16x1024xf32, #tpu.memory_space<vmem>> -> memref<16x1024xf32, #tpu.memory_space<vmem>>
      tpu.enqueue_dma source(%dma_start3A_215 : memref<16x1024xf32, #tpu.memory_space<vmem>>) target(%dma_start3A_211 : memref<16x1024xf32, #tpu.memory_space<hbm>>) target_semaphore(%arg22 : memref<!tpu.dma_semaphore, #tpu.memory_space<semaphore_mem>>)
      %add3A_216 = arith.constant 5 : i32
      %add3A_217 = arith.addi %add3A_188, %add3A_216 : i32
      %lt3A_218 = arith.constant 100 : i32
      %lt3A_219 = arith.cmpi slt, %add3A_217, %lt3A_218 : i32
      %convert_element_type3A_220 = arith.extui %lt3A_219 : i1 to i32
      %cond3A_221 = arith.constant 0 : i32
      %cond3A_222 = arith.cmpi ne, %convert_element_type3A_220, %cond3A_221 : i32
      scf.if %cond3A_222 {
        %mul3A_337 = arith.constant 16 : i32
        %mul3A_338 = arith.muli %add3A_188, %mul3A_337 : i32
        %add3A_339 = arith.addi %mul3A_2, %mul3A_338 : i32
        %dma_wait3A_340 = arith.constant 1 : i32
        %dma_wait3A_341 = arith.constant 0 : i32
        %dma_wait3A_342 = arith.constant 0 : i32
        %dma_wait3A_343 = tpu.memref_slice %arg13[%dma_wait3A_340, %dma_wait3A_341, %dma_wait3A_342] : memref<5x16x1024xf32, #tpu.memory_space<vmem>> -> memref<1x16x1024xf32, #tpu.memory_space<vmem>>
        %dma_wait3A_344 = tpu.memref_squeeze %dma_wait3A_343 : memref<1x16x1024xf32, #tpu.memory_space<vmem>> -> memref<16x1024xf32, #tpu.memory_space<vmem>>
        %dma_wait3A_345 = arith.constant 0 : i32
        %dma_wait3A_346 = tpu.memref_slice %arg7[%add3A_339, %dma_wait3A_345] : memref<51200x1024xf32, #tpu.memory_space<hbm>> -> memref<16x1024xf32, #tpu.memory_space<hbm>>
        %dma_wait3A_347 = arith.constant 0 : i32
        %dma_wait3A_348 = tpu.memref_slice %arg7[%add3A_339, %dma_wait3A_347] : memref<51200x1024xf32, #tpu.memory_space<hbm>> -> memref<16x1024xf32, #tpu.memory_space<hbm>>
        %dma_wait3A_349 = arith.constant 0 : i32
        %dma_wait3A_350 = arith.constant 0 : i32
        %dma_wait3A_351 = tpu.memref_slice %arg13[%dma_wait3A_340, %dma_wait3A_349, %dma_wait3A_350] : memref<5x16x1024xf32, #tpu.memory_space<vmem>> -> memref<1x16x1024xf32, #tpu.memory_space<vmem>>
        %dma_wait3A_352 = tpu.memref_squeeze %dma_wait3A_351 : memref<1x16x1024xf32, #tpu.memory_space<vmem>> -> memref<16x1024xf32, #tpu.memory_space<vmem>>
        tpu.wait_dma2 semaphore(%arg22 : memref<!tpu.dma_semaphore, #tpu.memory_space<semaphore_mem>>) src(%dma_wait3A_352 : memref<16x1024xf32, #tpu.memory_space<vmem>>) dst(%dma_wait3A_348 : memref<16x1024xf32, #tpu.memory_space<hbm>>)
        %add3A_353 = arith.constant 5 : i32
        %add3A_354 = arith.addi %add3A_188, %add3A_353 : i32
        %mul3A_355 = arith.constant 16 : i32
        %mul3A_356 = arith.muli %add3A_354, %mul3A_355 : i32
        %dma_start3A_357 = arith.constant 1 : i32
        %dma_start3A_358 = arith.constant 0 : i32
        %dma_start3A_359 = arith.constant 0 : i32
        %dma_start3A_360 = tpu.memref_slice %arg13[%dma_start3A_357, %dma_start3A_358, %dma_start3A_359] : memref<5x16x1024xf32, #tpu.memory_space<vmem>> -> memref<1x16x1024xf32, #tpu.memory_space<vmem>>
        %dma_start3A_361 = tpu.memref_squeeze %dma_start3A_360 : memref<1x16x1024xf32, #tpu.memory_space<vmem>> -> memref<16x1024xf32, #tpu.memory_space<vmem>>
        %dma_start3A_362 = tpu.memref_slice %arg9[%mul3A_356] : memref<1600xi32, #tpu.memory_space<vmem>> -> memref<16xi32, #tpu.memory_space<vmem>>
        %dma_start3A_363 = arith.constant 0 : i32
        %dma_start3A_364 = arith.constant 0 : i32
        %dma_start3A_365 = tpu.memref_slice %arg2[%dma_start3A_363, %dma_start3A_364] : memref<1024x1024xf32, #tpu.memory_space<hbm>> -> memref<1024x1024xf32, #tpu.memory_space<hbm>>
        tpu.enqueue_indirect_dma source(%dma_start3A_365 : memref<1024x1024xf32, #tpu.memory_space<hbm>>) target(%dma_start3A_361 : memref<16x1024xf32, #tpu.memory_space<vmem>>) offsets(%dma_start3A_362 : memref<16xi32, #tpu.memory_space<vmem>>) semaphore(%arg17 : memref<!tpu.dma_semaphore, #tpu.memory_space<semaphore_mem>>)
      } else {
      }
      %mul3A_223 = arith.constant 5 : i32
      %mul3A_224 = arith.muli %scan3A_149, %mul3A_223 : i32
      %add3A_225 = arith.constant 2 : i32
      %add3A_226 = arith.addi %mul3A_224, %add3A_225 : i32
      %mul3A_227 = arith.constant 16 : i32
      %mul3A_228 = arith.muli %add3A_226, %mul3A_227 : i32
      %dma_wait3A_229 = arith.constant 2 : i32
      %dma_wait3A_230 = arith.constant 0 : i32
      %dma_wait3A_231 = arith.constant 0 : i32
      %dma_wait3A_232 = tpu.memref_slice %arg13[%dma_wait3A_229, %dma_wait3A_230, %dma_wait3A_231] : memref<5x16x1024xf32, #tpu.memory_space<vmem>> -> memref<1x16x1024xf32, #tpu.memory_space<vmem>>
      %dma_wait3A_233 = tpu.memref_squeeze %dma_wait3A_232 : memref<1x16x1024xf32, #tpu.memory_space<vmem>> -> memref<16x1024xf32, #tpu.memory_space<vmem>>
      %dma_wait3A_234 = tpu.memref_slice %arg9[%mul3A_228] : memref<1600xi32, #tpu.memory_space<vmem>> -> memref<16xi32, #tpu.memory_space<vmem>>
      %dma_wait3A_235 = arith.constant 0 : i32
      %dma_wait3A_236 = arith.constant 0 : i32
      %dma_wait3A_237 = tpu.memref_slice %arg2[%dma_wait3A_235, %dma_wait3A_236] : memref<1024x1024xf32, #tpu.memory_space<hbm>> -> memref<1024x1024xf32, #tpu.memory_space<hbm>>
      tpu.wait_indirect_dma semaphore(%arg18 : memref<!tpu.dma_semaphore, #tpu.memory_space<semaphore_mem>>) src(%dma_wait3A_237 : memref<1024x1024xf32, #tpu.memory_space<hbm>>) dst(%dma_wait3A_233 : memref<16x1024xf32, #tpu.memory_space<vmem>>)
      %mul3A_238 = arith.constant 16 : i32
      %mul3A_239 = arith.muli %add3A_226, %mul3A_238 : i32
      %add3A_240 = arith.addi %mul3A_2, %mul3A_239 : i32
      %dma_start3A_241 = arith.constant 2 : i32
      %dma_start3A_242 = arith.constant 0 : i32
      %dma_start3A_243 = arith.constant 0 : i32
      %dma_start3A_244 = tpu.memref_slice %arg13[%dma_start3A_241, %dma_start3A_242, %dma_start3A_243] : memref<5x16x1024xf32, #tpu.memory_space<vmem>> -> memref<1x16x1024xf32, #tpu.memory_space<vmem>>
      %dma_start3A_245 = tpu.memref_squeeze %dma_start3A_244 : memref<1x16x1024xf32, #tpu.memory_space<vmem>> -> memref<16x1024xf32, #tpu.memory_space<vmem>>
      %dma_start3A_246 = arith.constant 0 : i32
      %dma_start3A_247 = tpu.memref_slice %arg7[%add3A_240, %dma_start3A_246] : memref<51200x1024xf32, #tpu.memory_space<hbm>> -> memref<16x1024xf32, #tpu.memory_space<hbm>>
      %dma_start3A_248 = arith.constant 0 : i32
      %dma_start3A_249 = tpu.memref_slice %arg7[%add3A_240, %dma_start3A_248] : memref<51200x1024xf32, #tpu.memory_space<hbm>> -> memref<16x1024xf32, #tpu.memory_space<hbm>>
      %dma_start3A_250 = arith.constant 0 : i32
      %dma_start3A_251 = arith.constant 0 : i32
      %dma_start3A_252 = tpu.memref_slice %arg13[%dma_start3A_241, %dma_start3A_250, %dma_start3A_251] : memref<5x16x1024xf32, #tpu.memory_space<vmem>> -> memref<1x16x1024xf32, #tpu.memory_space<vmem>>
      %dma_start3A_253 = tpu.memref_squeeze %dma_start3A_252 : memref<1x16x1024xf32, #tpu.memory_space<vmem>> -> memref<16x1024xf32, #tpu.memory_space<vmem>>
      tpu.enqueue_dma source(%dma_start3A_253 : memref<16x1024xf32, #tpu.memory_space<vmem>>) target(%dma_start3A_249 : memref<16x1024xf32, #tpu.memory_space<hbm>>) target_semaphore(%arg23 : memref<!tpu.dma_semaphore, #tpu.memory_space<semaphore_mem>>)
      %add3A_254 = arith.constant 5 : i32
      %add3A_255 = arith.addi %add3A_226, %add3A_254 : i32
      %lt3A_256 = arith.constant 100 : i32
      %lt3A_257 = arith.cmpi slt, %add3A_255, %lt3A_256 : i32
      %convert_element_type3A_258 = arith.extui %lt3A_257 : i1 to i32
      %cond3A_259 = arith.constant 0 : i32
      %cond3A_260 = arith.cmpi ne, %convert_element_type3A_258, %cond3A_259 : i32
      scf.if %cond3A_260 {
        %mul3A_337 = arith.constant 16 : i32
        %mul3A_338 = arith.muli %add3A_226, %mul3A_337 : i32
        %add3A_339 = arith.addi %mul3A_2, %mul3A_338 : i32
        %dma_wait3A_340 = arith.constant 2 : i32
        %dma_wait3A_341 = arith.constant 0 : i32
        %dma_wait3A_342 = arith.constant 0 : i32
        %dma_wait3A_343 = tpu.memref_slice %arg13[%dma_wait3A_340, %dma_wait3A_341, %dma_wait3A_342] : memref<5x16x1024xf32, #tpu.memory_space<vmem>> -> memref<1x16x1024xf32, #tpu.memory_space<vmem>>
        %dma_wait3A_344 = tpu.memref_squeeze %dma_wait3A_343 : memref<1x16x1024xf32, #tpu.memory_space<vmem>> -> memref<16x1024xf32, #tpu.memory_space<vmem>>
        %dma_wait3A_345 = arith.constant 0 : i32
        %dma_wait3A_346 = tpu.memref_slice %arg7[%add3A_339, %dma_wait3A_345] : memref<51200x1024xf32, #tpu.memory_space<hbm>> -> memref<16x1024xf32, #tpu.memory_space<hbm>>
        %dma_wait3A_347 = arith.constant 0 : i32
        %dma_wait3A_348 = tpu.memref_slice %arg7[%add3A_339, %dma_wait3A_347] : memref<51200x1024xf32, #tpu.memory_space<hbm>> -> memref<16x1024xf32, #tpu.memory_space<hbm>>
        %dma_wait3A_349 = arith.constant 0 : i32
        %dma_wait3A_350 = arith.constant 0 : i32
        %dma_wait3A_351 = tpu.memref_slice %arg13[%dma_wait3A_340, %dma_wait3A_349, %dma_wait3A_350] : memref<5x16x1024xf32, #tpu.memory_space<vmem>> -> memref<1x16x1024xf32, #tpu.memory_space<vmem>>
        %dma_wait3A_352 = tpu.memref_squeeze %dma_wait3A_351 : memref<1x16x1024xf32, #tpu.memory_space<vmem>> -> memref<16x1024xf32, #tpu.memory_space<vmem>>
        tpu.wait_dma2 semaphore(%arg23 : memref<!tpu.dma_semaphore, #tpu.memory_space<semaphore_mem>>) src(%dma_wait3A_352 : memref<16x1024xf32, #tpu.memory_space<vmem>>) dst(%dma_wait3A_348 : memref<16x1024xf32, #tpu.memory_space<hbm>>)
        %add3A_353 = arith.constant 5 : i32
        %add3A_354 = arith.addi %add3A_226, %add3A_353 : i32
        %mul3A_355 = arith.constant 16 : i32
        %mul3A_356 = arith.muli %add3A_354, %mul3A_355 : i32
        %dma_start3A_357 = arith.constant 2 : i32
        %dma_start3A_358 = arith.constant 0 : i32
        %dma_start3A_359 = arith.constant 0 : i32
        %dma_start3A_360 = tpu.memref_slice %arg13[%dma_start3A_357, %dma_start3A_358, %dma_start3A_359] : memref<5x16x1024xf32, #tpu.memory_space<vmem>> -> memref<1x16x1024xf32, #tpu.memory_space<vmem>>
        %dma_start3A_361 = tpu.memref_squeeze %dma_start3A_360 : memref<1x16x1024xf32, #tpu.memory_space<vmem>> -> memref<16x1024xf32, #tpu.memory_space<vmem>>
        %dma_start3A_362 = tpu.memref_slice %arg9[%mul3A_356] : memref<1600xi32, #tpu.memory_space<vmem>> -> memref<16xi32, #tpu.memory_space<vmem>>
        %dma_start3A_363 = arith.constant 0 : i32
        %dma_start3A_364 = arith.constant 0 : i32
        %dma_start3A_365 = tpu.memref_slice %arg2[%dma_start3A_363, %dma_start3A_364] : memref<1024x1024xf32, #tpu.memory_space<hbm>> -> memref<1024x1024xf32, #tpu.memory_space<hbm>>
        tpu.enqueue_indirect_dma source(%dma_start3A_365 : memref<1024x1024xf32, #tpu.memory_space<hbm>>) target(%dma_start3A_361 : memref<16x1024xf32, #tpu.memory_space<vmem>>) offsets(%dma_start3A_362 : memref<16xi32, #tpu.memory_space<vmem>>) semaphore(%arg18 : memref<!tpu.dma_semaphore, #tpu.memory_space<semaphore_mem>>)
      } else {
      }
      %mul3A_261 = arith.constant 5 : i32
      %mul3A_262 = arith.muli %scan3A_149, %mul3A_261 : i32
      %add3A_263 = arith.constant 3 : i32
      %add3A_264 = arith.addi %mul3A_262, %add3A_263 : i32
      %mul3A_265 = arith.constant 16 : i32
      %mul3A_266 = arith.muli %add3A_264, %mul3A_265 : i32
      %dma_wait3A_267 = arith.constant 3 : i32
      %dma_wait3A_268 = arith.constant 0 : i32
      %dma_wait3A_269 = arith.constant 0 : i32
      %dma_wait3A_270 = tpu.memref_slice %arg13[%dma_wait3A_267, %dma_wait3A_268, %dma_wait3A_269] : memref<5x16x1024xf32, #tpu.memory_space<vmem>> -> memref<1x16x1024xf32, #tpu.memory_space<vmem>>
      %dma_wait3A_271 = tpu.memref_squeeze %dma_wait3A_270 : memref<1x16x1024xf32, #tpu.memory_space<vmem>> -> memref<16x1024xf32, #tpu.memory_space<vmem>>
      %dma_wait3A_272 = tpu.memref_slice %arg9[%mul3A_266] : memref<1600xi32, #tpu.memory_space<vmem>> -> memref<16xi32, #tpu.memory_space<vmem>>
      %dma_wait3A_273 = arith.constant 0 : i32
      %dma_wait3A_274 = arith.constant 0 : i32
      %dma_wait3A_275 = tpu.memref_slice %arg2[%dma_wait3A_273, %dma_wait3A_274] : memref<1024x1024xf32, #tpu.memory_space<hbm>> -> memref<1024x1024xf32, #tpu.memory_space<hbm>>
      tpu.wait_indirect_dma semaphore(%arg19 : memref<!tpu.dma_semaphore, #tpu.memory_space<semaphore_mem>>) src(%dma_wait3A_275 : memref<1024x1024xf32, #tpu.memory_space<hbm>>) dst(%dma_wait3A_271 : memref<16x1024xf32, #tpu.memory_space<vmem>>)
      %mul3A_276 = arith.constant 16 : i32
      %mul3A_277 = arith.muli %add3A_264, %mul3A_276 : i32
      %add3A_278 = arith.addi %mul3A_2, %mul3A_277 : i32
      %dma_start3A_279 = arith.constant 3 : i32
      %dma_start3A_280 = arith.constant 0 : i32
      %dma_start3A_281 = arith.constant 0 : i32
      %dma_start3A_282 = tpu.memref_slice %arg13[%dma_start3A_279, %dma_start3A_280, %dma_start3A_281] : memref<5x16x1024xf32, #tpu.memory_space<vmem>> -> memref<1x16x1024xf32, #tpu.memory_space<vmem>>
      %dma_start3A_283 = tpu.memref_squeeze %dma_start3A_282 : memref<1x16x1024xf32, #tpu.memory_space<vmem>> -> memref<16x1024xf32, #tpu.memory_space<vmem>>
      %dma_start3A_284 = arith.constant 0 : i32
      %dma_start3A_285 = tpu.memref_slice %arg7[%add3A_278, %dma_start3A_284] : memref<51200x1024xf32, #tpu.memory_space<hbm>> -> memref<16x1024xf32, #tpu.memory_space<hbm>>
      %dma_start3A_286 = arith.constant 0 : i32
      %dma_start3A_287 = tpu.memref_slice %arg7[%add3A_278, %dma_start3A_286] : memref<51200x1024xf32, #tpu.memory_space<hbm>> -> memref<16x1024xf32, #tpu.memory_space<hbm>>
      %dma_start3A_288 = arith.constant 0 : i32
      %dma_start3A_289 = arith.constant 0 : i32
      %dma_start3A_290 = tpu.memref_slice %arg13[%dma_start3A_279, %dma_start3A_288, %dma_start3A_289] : memref<5x16x1024xf32, #tpu.memory_space<vmem>> -> memref<1x16x1024xf32, #tpu.memory_space<vmem>>
      %dma_start3A_291 = tpu.memref_squeeze %dma_start3A_290 : memref<1x16x1024xf32, #tpu.memory_space<vmem>> -> memref<16x1024xf32, #tpu.memory_space<vmem>>
      tpu.enqueue_dma source(%dma_start3A_291 : memref<16x1024xf32, #tpu.memory_space<vmem>>) target(%dma_start3A_287 : memref<16x1024xf32, #tpu.memory_space<hbm>>) target_semaphore(%arg24 : memref<!tpu.dma_semaphore, #tpu.memory_space<semaphore_mem>>)
      %add3A_292 = arith.constant 5 : i32
      %add3A_293 = arith.addi %add3A_264, %add3A_292 : i32
      %lt3A_294 = arith.constant 100 : i32
      %lt3A_295 = arith.cmpi slt, %add3A_293, %lt3A_294 : i32
      %convert_element_type3A_296 = arith.extui %lt3A_295 : i1 to i32
      %cond3A_297 = arith.constant 0 : i32
      %cond3A_298 = arith.cmpi ne, %convert_element_type3A_296, %cond3A_297 : i32
      scf.if %cond3A_298 {
        %mul3A_337 = arith.constant 16 : i32
        %mul3A_338 = arith.muli %add3A_264, %mul3A_337 : i32
        %add3A_339 = arith.addi %mul3A_2, %mul3A_338 : i32
        %dma_wait3A_340 = arith.constant 3 : i32
        %dma_wait3A_341 = arith.constant 0 : i32
        %dma_wait3A_342 = arith.constant 0 : i32
        %dma_wait3A_343 = tpu.memref_slice %arg13[%dma_wait3A_340, %dma_wait3A_341, %dma_wait3A_342] : memref<5x16x1024xf32, #tpu.memory_space<vmem>> -> memref<1x16x1024xf32, #tpu.memory_space<vmem>>
        %dma_wait3A_344 = tpu.memref_squeeze %dma_wait3A_343 : memref<1x16x1024xf32, #tpu.memory_space<vmem>> -> memref<16x1024xf32, #tpu.memory_space<vmem>>
        %dma_wait3A_345 = arith.constant 0 : i32
        %dma_wait3A_346 = tpu.memref_slice %arg7[%add3A_339, %dma_wait3A_345] : memref<51200x1024xf32, #tpu.memory_space<hbm>> -> memref<16x1024xf32, #tpu.memory_space<hbm>>
        %dma_wait3A_347 = arith.constant 0 : i32
        %dma_wait3A_348 = tpu.memref_slice %arg7[%add3A_339, %dma_wait3A_347] : memref<51200x1024xf32, #tpu.memory_space<hbm>> -> memref<16x1024xf32, #tpu.memory_space<hbm>>
        %dma_wait3A_349 = arith.constant 0 : i32
        %dma_wait3A_350 = arith.constant 0 : i32
        %dma_wait3A_351 = tpu.memref_slice %arg13[%dma_wait3A_340, %dma_wait3A_349, %dma_wait3A_350] : memref<5x16x1024xf32, #tpu.memory_space<vmem>> -> memref<1x16x1024xf32, #tpu.memory_space<vmem>>
        %dma_wait3A_352 = tpu.memref_squeeze %dma_wait3A_351 : memref<1x16x1024xf32, #tpu.memory_space<vmem>> -> memref<16x1024xf32, #tpu.memory_space<vmem>>
        tpu.wait_dma2 semaphore(%arg24 : memref<!tpu.dma_semaphore, #tpu.memory_space<semaphore_mem>>) src(%dma_wait3A_352 : memref<16x1024xf32, #tpu.memory_space<vmem>>) dst(%dma_wait3A_348 : memref<16x1024xf32, #tpu.memory_space<hbm>>)
        %add3A_353 = arith.constant 5 : i32
        %add3A_354 = arith.addi %add3A_264, %add3A_353 : i32
        %mul3A_355 = arith.constant 16 : i32
        %mul3A_356 = arith.muli %add3A_354, %mul3A_355 : i32
        %dma_start3A_357 = arith.constant 3 : i32
        %dma_start3A_358 = arith.constant 0 : i32
        %dma_start3A_359 = arith.constant 0 : i32
        %dma_start3A_360 = tpu.memref_slice %arg13[%dma_start3A_357, %dma_start3A_358, %dma_start3A_359] : memref<5x16x1024xf32, #tpu.memory_space<vmem>> -> memref<1x16x1024xf32, #tpu.memory_space<vmem>>
        %dma_start3A_361 = tpu.memref_squeeze %dma_start3A_360 : memref<1x16x1024xf32, #tpu.memory_space<vmem>> -> memref<16x1024xf32, #tpu.memory_space<vmem>>
        %dma_start3A_362 = tpu.memref_slice %arg9[%mul3A_356] : memref<1600xi32, #tpu.memory_space<vmem>> -> memref<16xi32, #tpu.memory_space<vmem>>
        %dma_start3A_363 = arith.constant 0 : i32
        %dma_start3A_364 = arith.constant 0 : i32
        %dma_start3A_365 = tpu.memref_slice %arg2[%dma_start3A_363, %dma_start3A_364] : memref<1024x1024xf32, #tpu.memory_space<hbm>> -> memref<1024x1024xf32, #tpu.memory_space<hbm>>
        tpu.enqueue_indirect_dma source(%dma_start3A_365 : memref<1024x1024xf32, #tpu.memory_space<hbm>>) target(%dma_start3A_361 : memref<16x1024xf32, #tpu.memory_space<vmem>>) offsets(%dma_start3A_362 : memref<16xi32, #tpu.memory_space<vmem>>) semaphore(%arg19 : memref<!tpu.dma_semaphore, #tpu.memory_space<semaphore_mem>>)
      } else {
      }
      %mul3A_299 = arith.constant 5 : i32
      %mul3A_300 = arith.muli %scan3A_149, %mul3A_299 : i32
      %add3A_301 = arith.constant 4 : i32
      %add3A_302 = arith.addi %mul3A_300, %add3A_301 : i32
      %mul3A_303 = arith.constant 16 : i32
      %mul3A_304 = arith.muli %add3A_302, %mul3A_303 : i32
      %dma_wait3A_305 = arith.constant 4 : i32
      %dma_wait3A_306 = arith.constant 0 : i32
      %dma_wait3A_307 = arith.constant 0 : i32
      %dma_wait3A_308 = tpu.memref_slice %arg13[%dma_wait3A_305, %dma_wait3A_306, %dma_wait3A_307] : memref<5x16x1024xf32, #tpu.memory_space<vmem>> -> memref<1x16x1024xf32, #tpu.memory_space<vmem>>
      %dma_wait3A_309 = tpu.memref_squeeze %dma_wait3A_308 : memref<1x16x1024xf32, #tpu.memory_space<vmem>> -> memref<16x1024xf32, #tpu.memory_space<vmem>>
      %dma_wait3A_310 = tpu.memref_slice %arg9[%mul3A_304] : memref<1600xi32, #tpu.memory_space<vmem>> -> memref<16xi32, #tpu.memory_space<vmem>>
      %dma_wait3A_311 = arith.constant 0 : i32
      %dma_wait3A_312 = arith.constant 0 : i32
      %dma_wait3A_313 = tpu.memref_slice %arg2[%dma_wait3A_311, %dma_wait3A_312] : memref<1024x1024xf32, #tpu.memory_space<hbm>> -> memref<1024x1024xf32, #tpu.memory_space<hbm>>
      tpu.wait_indirect_dma semaphore(%arg20 : memref<!tpu.dma_semaphore, #tpu.memory_space<semaphore_mem>>) src(%dma_wait3A_313 : memref<1024x1024xf32, #tpu.memory_space<hbm>>) dst(%dma_wait3A_309 : memref<16x1024xf32, #tpu.memory_space<vmem>>)
      %mul3A_314 = arith.constant 16 : i32
      %mul3A_315 = arith.muli %add3A_302, %mul3A_314 : i32
      %add3A_316 = arith.addi %mul3A_2, %mul3A_315 : i32
      %dma_start3A_317 = arith.constant 4 : i32
      %dma_start3A_318 = arith.constant 0 : i32
      %dma_start3A_319 = arith.constant 0 : i32
      %dma_start3A_320 = tpu.memref_slice %arg13[%dma_start3A_317, %dma_start3A_318, %dma_start3A_319] : memref<5x16x1024xf32, #tpu.memory_space<vmem>> -> memref<1x16x1024xf32, #tpu.memory_space<vmem>>
      %dma_start3A_321 = tpu.memref_squeeze %dma_start3A_320 : memref<1x16x1024xf32, #tpu.memory_space<vmem>> -> memref<16x1024xf32, #tpu.memory_space<vmem>>
      %dma_start3A_322 = arith.constant 0 : i32
      %dma_start3A_323 = tpu.memref_slice %arg7[%add3A_316, %dma_start3A_322] : memref<51200x1024xf32, #tpu.memory_space<hbm>> -> memref<16x1024xf32, #tpu.memory_space<hbm>>
      %dma_start3A_324 = arith.constant 0 : i32
      %dma_start3A_325 = tpu.memref_slice %arg7[%add3A_316, %dma_start3A_324] : memref<51200x1024xf32, #tpu.memory_space<hbm>> -> memref<16x1024xf32, #tpu.memory_space<hbm>>
      %dma_start3A_326 = arith.constant 0 : i32
      %dma_start3A_327 = arith.constant 0 : i32
      %dma_start3A_328 = tpu.memref_slice %arg13[%dma_start3A_317, %dma_start3A_326, %dma_start3A_327] : memref<5x16x1024xf32, #tpu.memory_space<vmem>> -> memref<1x16x1024xf32, #tpu.memory_space<vmem>>
      %dma_start3A_329 = tpu.memref_squeeze %dma_start3A_328 : memref<1x16x1024xf32, #tpu.memory_space<vmem>> -> memref<16x1024xf32, #tpu.memory_space<vmem>>
      tpu.enqueue_dma source(%dma_start3A_329 : memref<16x1024xf32, #tpu.memory_space<vmem>>) target(%dma_start3A_325 : memref<16x1024xf32, #tpu.memory_space<hbm>>) target_semaphore(%arg25 : memref<!tpu.dma_semaphore, #tpu.memory_space<semaphore_mem>>)
      %add3A_330 = arith.constant 5 : i32
      %add3A_331 = arith.addi %add3A_302, %add3A_330 : i32
      %lt3A_332 = arith.constant 100 : i32
      %lt3A_333 = arith.cmpi slt, %add3A_331, %lt3A_332 : i32
      %convert_element_type3A_334 = arith.extui %lt3A_333 : i1 to i32
      %cond3A_335 = arith.constant 0 : i32
      %cond3A_336 = arith.cmpi ne, %convert_element_type3A_334, %cond3A_335 : i32
      scf.if %cond3A_336 {
        %mul3A_337 = arith.constant 16 : i32
        %mul3A_338 = arith.muli %add3A_302, %mul3A_337 : i32
        %add3A_339 = arith.addi %mul3A_2, %mul3A_338 : i32
        %dma_wait3A_340 = arith.constant 4 : i32
        %dma_wait3A_341 = arith.constant 0 : i32
        %dma_wait3A_342 = arith.constant 0 : i32
        %dma_wait3A_343 = tpu.memref_slice %arg13[%dma_wait3A_340, %dma_wait3A_341, %dma_wait3A_342] : memref<5x16x1024xf32, #tpu.memory_space<vmem>> -> memref<1x16x1024xf32, #tpu.memory_space<vmem>>
        %dma_wait3A_344 = tpu.memref_squeeze %dma_wait3A_343 : memref<1x16x1024xf32, #tpu.memory_space<vmem>> -> memref<16x1024xf32, #tpu.memory_space<vmem>>
        %dma_wait3A_345 = arith.constant 0 : i32
        %dma_wait3A_346 = tpu.memref_slice %arg7[%add3A_339, %dma_wait3A_345] : memref<51200x1024xf32, #tpu.memory_space<hbm>> -> memref<16x1024xf32, #tpu.memory_space<hbm>>
        %dma_wait3A_347 = arith.constant 0 : i32
        %dma_wait3A_348 = tpu.memref_slice %arg7[%add3A_339, %dma_wait3A_347] : memref<51200x1024xf32, #tpu.memory_space<hbm>> -> memref<16x1024xf32, #tpu.memory_space<hbm>>
        %dma_wait3A_349 = arith.constant 0 : i32
        %dma_wait3A_350 = arith.constant 0 : i32
        %dma_wait3A_351 = tpu.memref_slice %arg13[%dma_wait3A_340, %dma_wait3A_349, %dma_wait3A_350] : memref<5x16x1024xf32, #tpu.memory_space<vmem>> -> memref<1x16x1024xf32, #tpu.memory_space<vmem>>
        %dma_wait3A_352 = tpu.memref_squeeze %dma_wait3A_351 : memref<1x16x1024xf32, #tpu.memory_space<vmem>> -> memref<16x1024xf32, #tpu.memory_space<vmem>>
        tpu.wait_dma2 semaphore(%arg25 : memref<!tpu.dma_semaphore, #tpu.memory_space<semaphore_mem>>) src(%dma_wait3A_352 : memref<16x1024xf32, #tpu.memory_space<vmem>>) dst(%dma_wait3A_348 : memref<16x1024xf32, #tpu.memory_space<hbm>>)
        %add3A_353 = arith.constant 5 : i32
        %add3A_354 = arith.addi %add3A_302, %add3A_353 : i32
        %mul3A_355 = arith.constant 16 : i32
        %mul3A_356 = arith.muli %add3A_354, %mul3A_355 : i32
        %dma_start3A_357 = arith.constant 4 : i32
        %dma_start3A_358 = arith.constant 0 : i32
        %dma_start3A_359 = arith.constant 0 : i32
        %dma_start3A_360 = tpu.memref_slice %arg13[%dma_start3A_357, %dma_start3A_358, %dma_start3A_359] : memref<5x16x1024xf32, #tpu.memory_space<vmem>> -> memref<1x16x1024xf32, #tpu.memory_space<vmem>>
        %dma_start3A_361 = tpu.memref_squeeze %dma_start3A_360 : memref<1x16x1024xf32, #tpu.memory_space<vmem>> -> memref<16x1024xf32, #tpu.memory_space<vmem>>
        %dma_start3A_362 = tpu.memref_slice %arg9[%mul3A_356] : memref<1600xi32, #tpu.memory_space<vmem>> -> memref<16xi32, #tpu.memory_space<vmem>>
        %dma_start3A_363 = arith.constant 0 : i32
        %dma_start3A_364 = arith.constant 0 : i32
        %dma_start3A_365 = tpu.memref_slice %arg2[%dma_start3A_363, %dma_start3A_364] : memref<1024x1024xf32, #tpu.memory_space<hbm>> -> memref<1024x1024xf32, #tpu.memory_space<hbm>>
        tpu.enqueue_indirect_dma source(%dma_start3A_365 : memref<1024x1024xf32, #tpu.memory_space<hbm>>) target(%dma_start3A_361 : memref<16x1024xf32, #tpu.memory_space<vmem>>) offsets(%dma_start3A_362 : memref<16xi32, #tpu.memory_space<vmem>>) semaphore(%arg20 : memref<!tpu.dma_semaphore, #tpu.memory_space<semaphore_mem>>)
      } else {
      }
    }
    %scan3A_60 = arith.constant 20 : i32
    %add3A_61 = arith.constant 1520 : i32
    %add3A_62 = arith.addi %mul3A_2, %add3A_61 : i32
    %dma_wait3A = arith.constant 0 : i32
    %dma_wait3A_63 = arith.constant 0 : i32
    %dma_wait3A_64 = arith.constant 0 : i32
    %dma_wait3A_65 = tpu.memref_slice %arg13[%dma_wait3A, %dma_wait3A_63, %dma_wait3A_64] : memref<5x16x1024xf32, #tpu.memory_space<vmem>> -> memref<1x16x1024xf32, #tpu.memory_space<vmem>>
    %dma_wait3A_66 = tpu.memref_squeeze %dma_wait3A_65 : memref<1x16x1024xf32, #tpu.memory_space<vmem>> -> memref<16x1024xf32, #tpu.memory_space<vmem>>
    %dma_wait3A_67 = arith.constant 0 : i32
    %dma_wait3A_68 = tpu.memref_slice %arg7[%add3A_62, %dma_wait3A_67] : memref<51200x1024xf32, #tpu.memory_space<hbm>> -> memref<16x1024xf32, #tpu.memory_space<hbm>>
    %dma_wait3A_69 = arith.constant 0 : i32
    %dma_wait3A_70 = tpu.memref_slice %arg7[%add3A_62, %dma_wait3A_69] : memref<51200x1024xf32, #tpu.memory_space<hbm>> -> memref<16x1024xf32, #tpu.memory_space<hbm>>
    %dma_wait3A_71 = arith.constant 0 : i32
    %dma_wait3A_72 = arith.constant 0 : i32
    %dma_wait3A_73 = tpu.memref_slice %arg13[%dma_wait3A, %dma_wait3A_71, %dma_wait3A_72] : memref<5x16x1024xf32, #tpu.memory_space<vmem>> -> memref<1x16x1024xf32, #tpu.memory_space<vmem>>
    %dma_wait3A_74 = tpu.memref_squeeze %dma_wait3A_73 : memref<1x16x1024xf32, #tpu.memory_space<vmem>> -> memref<16x1024xf32, #tpu.memory_space<vmem>>
    tpu.wait_dma2 semaphore(%arg21 : memref<!tpu.dma_semaphore, #tpu.memory_space<semaphore_mem>>) src(%dma_wait3A_74 : memref<16x1024xf32, #tpu.memory_space<vmem>>) dst(%dma_wait3A_70 : memref<16x1024xf32, #tpu.memory_space<hbm>>)
    %add3A_75 = arith.constant 1536 : i32
    %add3A_76 = arith.addi %mul3A_2, %add3A_75 : i32
    %dma_wait3A_77 = arith.constant 1 : i32
    %dma_wait3A_78 = arith.constant 0 : i32
    %dma_wait3A_79 = arith.constant 0 : i32
    %dma_wait3A_80 = tpu.memref_slice %arg13[%dma_wait3A_77, %dma_wait3A_78, %dma_wait3A_79] : memref<5x16x1024xf32, #tpu.memory_space<vmem>> -> memref<1x16x1024xf32, #tpu.memory_space<vmem>>
    %dma_wait3A_81 = tpu.memref_squeeze %dma_wait3A_80 : memref<1x16x1024xf32, #tpu.memory_space<vmem>> -> memref<16x1024xf32, #tpu.memory_space<vmem>>
    %dma_wait3A_82 = arith.constant 0 : i32
    %dma_wait3A_83 = tpu.memref_slice %arg7[%add3A_76, %dma_wait3A_82] : memref<51200x1024xf32, #tpu.memory_space<hbm>> -> memref<16x1024xf32, #tpu.memory_space<hbm>>
    %dma_wait3A_84 = arith.constant 0 : i32
    %dma_wait3A_85 = tpu.memref_slice %arg7[%add3A_76, %dma_wait3A_84] : memref<51200x1024xf32, #tpu.memory_space<hbm>> -> memref<16x1024xf32, #tpu.memory_space<hbm>>
    %dma_wait3A_86 = arith.constant 0 : i32
    %dma_wait3A_87 = arith.constant 0 : i32
    %dma_wait3A_88 = tpu.memref_slice %arg13[%dma_wait3A_77, %dma_wait3A_86, %dma_wait3A_87] : memref<5x16x1024xf32, #tpu.memory_space<vmem>> -> memref<1x16x1024xf32, #tpu.memory_space<vmem>>
    %dma_wait3A_89 = tpu.memref_squeeze %dma_wait3A_88 : memref<1x16x1024xf32, #tpu.memory_space<vmem>> -> memref<16x1024xf32, #tpu.memory_space<vmem>>
    tpu.wait_dma2 semaphore(%arg22 : memref<!tpu.dma_semaphore, #tpu.memory_space<semaphore_mem>>) src(%dma_wait3A_89 : memref<16x1024xf32, #tpu.memory_space<vmem>>) dst(%dma_wait3A_85 : memref<16x1024xf32, #tpu.memory_space<hbm>>)
    %add3A_90 = arith.constant 1552 : i32
    %add3A_91 = arith.addi %mul3A_2, %add3A_90 : i32
    %dma_wait3A_92 = arith.constant 2 : i32
    %dma_wait3A_93 = arith.constant 0 : i32
    %dma_wait3A_94 = arith.constant 0 : i32
    %dma_wait3A_95 = tpu.memref_slice %arg13[%dma_wait3A_92, %dma_wait3A_93, %dma_wait3A_94] : memref<5x16x1024xf32, #tpu.memory_space<vmem>> -> memref<1x16x1024xf32, #tpu.memory_space<vmem>>
    %dma_wait3A_96 = tpu.memref_squeeze %dma_wait3A_95 : memref<1x16x1024xf32, #tpu.memory_space<vmem>> -> memref<16x1024xf32, #tpu.memory_space<vmem>>
    %dma_wait3A_97 = arith.constant 0 : i32
    %dma_wait3A_98 = tpu.memref_slice %arg7[%add3A_91, %dma_wait3A_97] : memref<51200x1024xf32, #tpu.memory_space<hbm>> -> memref<16x1024xf32, #tpu.memory_space<hbm>>
    %dma_wait3A_99 = arith.constant 0 : i32
    %dma_wait3A_100 = tpu.memref_slice %arg7[%add3A_91, %dma_wait3A_99] : memref<51200x1024xf32, #tpu.memory_space<hbm>> -> memref<16x1024xf32, #tpu.memory_space<hbm>>
    %dma_wait3A_101 = arith.constant 0 : i32
    %dma_wait3A_102 = arith.constant 0 : i32
    %dma_wait3A_103 = tpu.memref_slice %arg13[%dma_wait3A_92, %dma_wait3A_101, %dma_wait3A_102] : memref<5x16x1024xf32, #tpu.memory_space<vmem>> -> memref<1x16x1024xf32, #tpu.memory_space<vmem>>
    %dma_wait3A_104 = tpu.memref_squeeze %dma_wait3A_103 : memref<1x16x1024xf32, #tpu.memory_space<vmem>> -> memref<16x1024xf32, #tpu.memory_space<vmem>>
    tpu.wait_dma2 semaphore(%arg23 : memref<!tpu.dma_semaphore, #tpu.memory_space<semaphore_mem>>) src(%dma_wait3A_104 : memref<16x1024xf32, #tpu.memory_space<vmem>>) dst(%dma_wait3A_100 : memref<16x1024xf32, #tpu.memory_space<hbm>>)
    %add3A_105 = arith.constant 1568 : i32
    %add3A_106 = arith.addi %mul3A_2, %add3A_105 : i32
    %dma_wait3A_107 = arith.constant 3 : i32
    %dma_wait3A_108 = arith.constant 0 : i32
    %dma_wait3A_109 = arith.constant 0 : i32
    %dma_wait3A_110 = tpu.memref_slice %arg13[%dma_wait3A_107, %dma_wait3A_108, %dma_wait3A_109] : memref<5x16x1024xf32, #tpu.memory_space<vmem>> -> memref<1x16x1024xf32, #tpu.memory_space<vmem>>
    %dma_wait3A_111 = tpu.memref_squeeze %dma_wait3A_110 : memref<1x16x1024xf32, #tpu.memory_space<vmem>> -> memref<16x1024xf32, #tpu.memory_space<vmem>>
    %dma_wait3A_112 = arith.constant 0 : i32
    %dma_wait3A_113 = tpu.memref_slice %arg7[%add3A_106, %dma_wait3A_112] : memref<51200x1024xf32, #tpu.memory_space<hbm>> -> memref<16x1024xf32, #tpu.memory_space<hbm>>
    %dma_wait3A_114 = arith.constant 0 : i32
    %dma_wait3A_115 = tpu.memref_slice %arg7[%add3A_106, %dma_wait3A_114] : memref<51200x1024xf32, #tpu.memory_space<hbm>> -> memref<16x1024xf32, #tpu.memory_space<hbm>>
    %dma_wait3A_116 = arith.constant 0 : i32
    %dma_wait3A_117 = arith.constant 0 : i32
    %dma_wait3A_118 = tpu.memref_slice %arg13[%dma_wait3A_107, %dma_wait3A_116, %dma_wait3A_117] : memref<5x16x1024xf32, #tpu.memory_space<vmem>> -> memref<1x16x1024xf32, #tpu.memory_space<vmem>>
    %dma_wait3A_119 = tpu.memref_squeeze %dma_wait3A_118 : memref<1x16x1024xf32, #tpu.memory_space<vmem>> -> memref<16x1024xf32, #tpu.memory_space<vmem>>
    tpu.wait_dma2 semaphore(%arg24 : memref<!tpu.dma_semaphore, #tpu.memory_space<semaphore_mem>>) src(%dma_wait3A_119 : memref<16x1024xf32, #tpu.memory_space<vmem>>) dst(%dma_wait3A_115 : memref<16x1024xf32, #tpu.memory_space<hbm>>)
    %add3A_120 = arith.constant 1584 : i32
    %add3A_121 = arith.addi %mul3A_2, %add3A_120 : i32
    %dma_wait3A_122 = arith.constant 4 : i32
    %dma_wait3A_123 = arith.constant 0 : i32
    %dma_wait3A_124 = arith.constant 0 : i32
    %dma_wait3A_125 = tpu.memref_slice %arg13[%dma_wait3A_122, %dma_wait3A_123, %dma_wait3A_124] : memref<5x16x1024xf32, #tpu.memory_space<vmem>> -> memref<1x16x1024xf32, #tpu.memory_space<vmem>>
    %dma_wait3A_126 = tpu.memref_squeeze %dma_wait3A_125 : memref<1x16x1024xf32, #tpu.memory_space<vmem>> -> memref<16x1024xf32, #tpu.memory_space<vmem>>
    %dma_wait3A_127 = arith.constant 0 : i32
    %dma_wait3A_128 = tpu.memref_slice %arg7[%add3A_121, %dma_wait3A_127] : memref<51200x1024xf32, #tpu.memory_space<hbm>> -> memref<16x1024xf32, #tpu.memory_space<hbm>>
    %dma_wait3A_129 = arith.constant 0 : i32
    %dma_wait3A_130 = tpu.memref_slice %arg7[%add3A_121, %dma_wait3A_129] : memref<51200x1024xf32, #tpu.memory_space<hbm>> -> memref<16x1024xf32, #tpu.memory_space<hbm>>
    %dma_wait3A_131 = arith.constant 0 : i32
    %dma_wait3A_132 = arith.constant 0 : i32
    %dma_wait3A_133 = tpu.memref_slice %arg13[%dma_wait3A_122, %dma_wait3A_131, %dma_wait3A_132] : memref<5x16x1024xf32, #tpu.memory_space<vmem>> -> memref<1x16x1024xf32, #tpu.memory_space<vmem>>
    %dma_wait3A_134 = tpu.memref_squeeze %dma_wait3A_133 : memref<1x16x1024xf32, #tpu.memory_space<vmem>> -> memref<16x1024xf32, #tpu.memory_space<vmem>>
    tpu.wait_dma2 semaphore(%arg25 : memref<!tpu.dma_semaphore, #tpu.memory_space<semaphore_mem>>) src(%dma_wait3A_134 : memref<16x1024xf32, #tpu.memory_space<vmem>>) dst(%dma_wait3A_130 : memref<16x1024xf32, #tpu.memory_space<hbm>>)
    %dma_wait3A_135 = arith.constant 0 : i32
    %dma_wait3A_136 = tpu.memref_slice %arg3[%dma_wait3A_135] : memref<1000000xf32, #tpu.memory_space<hbm>> -> memref<1000000xf32, #tpu.memory_space<hbm>>
    tpu.wait_indirect_dma semaphore(%arg15 : memref<!tpu.dma_semaphore, #tpu.memory_space<semaphore_mem>>) src(%dma_wait3A_136 : memref<1000000xf32, #tpu.memory_space<hbm>>) dst(%arg11 : memref<1600xf32, #tpu.memory_space<vmem>>)
    %dma_wait3A_137 = arith.constant 0 : i32
    %dma_wait3A_138 = tpu.memref_slice %arg6[%dma_wait3A_137] : memref<1024xf32, #tpu.memory_space<hbm>> -> memref<1024xf32, #tpu.memory_space<hbm>>
    tpu.wait_indirect_dma semaphore(%arg15 : memref<!tpu.dma_semaphore, #tpu.memory_space<semaphore_mem>>) src(%dma_wait3A_138 : memref<1024xf32, #tpu.memory_space<hbm>>) dst(%arg12 : memref<1600xf32, #tpu.memory_space<vmem>>)
    %broadcast_in_dim3A = arith.constant 0.000000e+00 : f32
    %broadcast_in_dim3A_139 = vector.broadcast %broadcast_in_dim3A : f32 to vector<16xf32>
    %scan3A_140 = arith.constant 0 : i32
    %scan3A_141 = arith.constant 100 : i32
    %scan3A_142 = arith.addi %scan3A_140, %scan3A_141 : i32
    %scan3A_143 = arith.constant 1 : i32
    %scan3A_144 = scf.for %scan3A_149 = %scan3A_140 to %scan3A_142 step %scan3A_143 iter_args(%scan3A_150 = %broadcast_in_dim3A_139) -> (vector<16xf32>)  : i32 {
      %mul3A_151 = arith.constant 16 : i32
      %mul3A_152 = arith.muli %scan3A_149, %mul3A_151 : i32
      %get3A = arith.index_cast %mul3A_152 : i32 to index
      %get3A_153 = tpu.vector_load %arg12[%get3A] {strides = array<i32>} : memref<1600xf32, #tpu.memory_space<vmem>>, vector<16xf32>,
      %get3A_154 = vector.shape_cast %get3A_153 : vector<16xf32> to vector<16xf32>
      %get3A_155 = arith.index_cast %mul3A_152 : i32 to index
      %get3A_156 = tpu.vector_load %arg11[%get3A_155] {strides = array<i32>} : memref<1600xf32, #tpu.memory_space<vmem>>, vector<16xf32>,
      %get3A_157 = vector.shape_cast %get3A_156 : vector<16xf32> to vector<16xf32>
      %sub3A = arith.subf %get3A_154, %get3A_157 : vector<16xf32>
      %add3A_158 = arith.addf %scan3A_150, %sub3A : vector<16xf32>
      scf.yield %add3A_158 : vector<16xf32>
    }
    %scan3A_145 = arith.constant 100 : i32
    %swap3A = arith.constant 0 : index
    %swap3A_146 = tpu.vector_load %arg14[%swap3A] {strides = array<i32>} : memref<16xf32, #tpu.memory_space<vmem>>, vector<16xf32>,
    %swap3A_147 = vector.shape_cast %swap3A_146 : vector<16xf32> to vector<16xf32>
    %swap3A_148 = vector.shape_cast %scan3A_144 : vector<16xf32> to vector<16xf32>
    tpu.vector_store %arg14[%swap3A], %swap3A_148 {strides = array<i32>} : memref<16xf32, #tpu.memory_space<vmem>>, vector<16xf32>,
    "tpu.region"() ({
      %run_scoped3A = tpu.sem_alloc : memref<!tpu.dma_semaphore, #tpu.memory_space<semaphore_mem>>
      %dma_start3A_149 = arith.constant 0 : i32
      %dma_start3A_150 = tpu.memref_slice %arg8[%add3A, %dma_start3A_149] : memref<32x16xf32, #tpu.memory_space<hbm>> -> memref<1x16xf32, #tpu.memory_space<hbm>>
      %dma_start3A_151 = tpu.memref_squeeze %dma_start3A_150 : memref<1x16xf32, #tpu.memory_space<hbm>> -> memref<16xf32, #tpu.memory_space<hbm>>
      %dma_start3A_152 = arith.constant 0 : i32
      %dma_start3A_153 = tpu.memref_slice %arg8[%add3A, %dma_start3A_152] : memref<32x16xf32, #tpu.memory_space<hbm>> -> memref<1x16xf32, #tpu.memory_space<hbm>>
      %dma_start3A_154 = tpu.memref_squeeze %dma_start3A_153 : memref<1x16xf32, #tpu.memory_space<hbm>> -> memref<16xf32, #tpu.memory_space<hbm>>
      tpu.enqueue_dma source(%arg14 : memref<16xf32, #tpu.memory_space<vmem>>) target(%dma_start3A_154 : memref<16xf32, #tpu.memory_space<hbm>>) target_semaphore(%run_scoped3A : memref<!tpu.dma_semaphore, #tpu.memory_space<semaphore_mem>>)
      %dma_wait3A_155 = arith.constant 0 : i32
      %dma_wait3A_156 = tpu.memref_slice %arg8[%add3A, %dma_wait3A_155] : memref<32x16xf32, #tpu.memory_space<hbm>> -> memref<1x16xf32, #tpu.memory_space<hbm>>
      %dma_wait3A_157 = tpu.memref_squeeze %dma_wait3A_156 : memref<1x16xf32, #tpu.memory_space<hbm>> -> memref<16xf32, #tpu.memory_space<hbm>>
      %dma_wait3A_158 = arith.constant 0 : i32
      %dma_wait3A_159 = tpu.memref_slice %arg8[%add3A, %dma_wait3A_158] : memref<32x16xf32, #tpu.memory_space<hbm>> -> memref<1x16xf32, #tpu.memory_space<hbm>>
      %dma_wait3A_160 = tpu.memref_squeeze %dma_wait3A_159 : memref<1x16xf32, #tpu.memory_space<hbm>> -> memref<16xf32, #tpu.memory_space<hbm>>
      tpu.wait_dma2 semaphore(%run_scoped3A : memref<!tpu.dma_semaphore, #tpu.memory_space<semaphore_mem>>) src(%arg14 : memref<16xf32, #tpu.memory_space<vmem>>) dst(%dma_wait3A_160 : memref<16xf32, #tpu.memory_space<hbm>>)
      tpu.yield
    }) : () -> ()
    return
  }
}

module attributes {stable_mosaic.version = 14 : i64} {
  func.func @_logz_body(%arg0: i32, %arg1: memref<128x1024xf32, #tpu.memory_space<vmem>>, %arg2: memref<8x128xf32, #tpu.memory_space<vmem>>) attributes {dimension_semantics = [#tpu.dimension_semantics<arbitrary>], iteration_bounds = array<i64: 8>, scalar_prefetch = 0 : i64, scratch_operands = 0 : i64, tpu.core_type = #tpu.core_type<tc>, window_params = [{transform_indices = @transform_0, window_bounds = array<i64: 128, 1024>}, {pipeline_mode = #tpu.pipeline_mode<synchronous>, transform_indices = @transform_1, window_bounds = array<i64: 8, 128>}]} {
    %get3A = arith.constant 0 : index
    %get3A_0 = arith.constant 0 : index
    %get3A_1 = vector.load %arg1[%get3A, %get3A_0] : memref<128x1024xf32, #tpu.memory_space<vmem>>, vector<128x1024xf32>
    %reduce_max3A = arith.constant dense<0xFF800000> : vector<128xf32>
    %reduce_max3A_2 = vector.multi_reduction <maximumf>, %get3A_1, %reduce_max3A [1] : vector<128x1024xf32> to vector<128xf32>
    %broadcast_in_dim3A = vector.shape_cast %reduce_max3A_2 : vector<128xf32> to vector<128x1xf32>
    %sub3A = vector.broadcast %broadcast_in_dim3A : vector<128x1xf32> to vector<128x1024xf32>
    %sub3A_3 = arith.subf %get3A_1, %sub3A : vector<128x1024xf32>
    %exp3A = math.exp %sub3A_3 : vector<128x1024xf32>
    %reduce_sum3A = arith.constant dense<0.000000e+00> : vector<128xf32>
    %reduce_sum3A_4 = vector.multi_reduction <add>, %exp3A, %reduce_sum3A [1] : vector<128x1024xf32> to vector<128xf32>
    %log3A = math.log %reduce_sum3A_4 : vector<128xf32>
    %add3A = arith.addf %log3A, %reduce_max3A_2 : vector<128xf32>
    %swap3A = arith.index_cast %arg0 : i32 to index
    %swap3A_5 = arith.constant 0 : index
    %swap3A_6 = vector.load %arg2[%swap3A, %swap3A_5] : memref<8x128xf32, #tpu.memory_space<vmem>>, vector<1x128xf32>
    %swap3A_7 = vector.shape_cast %swap3A_6 : vector<1x128xf32> to vector<128xf32>
    %swap3A_8 = vector.shape_cast %add3A : vector<128xf32> to vector<1x128xf32>
    tpu.vector_store %arg2[%swap3A, %swap3A_5], %swap3A_8 {strides = array<i32>} : memref<8x128xf32, #tpu.memory_space<vmem>>, vector<1x128xf32>,
    return
  }
  func.func @transform_0(%arg0: i32) -> (i32, i32) {
    %c0_i32 = arith.constant 0 : i32
    %c0_i32_0 = arith.constant 0 : i32
    return %arg0, %c0_i32 : i32, i32
  }
  func.func @transform_1(%arg0: i32) -> (i32, i32) {
    %c0_i32 = arith.constant 0 : i32
    %c0_i32_0 = arith.constant 0 : i32
    %c0_i32_1 = arith.constant 0 : i32
    return %c0_i32, %c0_i32_0 : i32, i32
  }
}

</mosaic_0001>

<sc_bundles>
// kernel: kernel.4.cloned.1.call-start
scs
__scs_entry_jumppad:
0x0: {  	(pc) =	sbr.rel $0x88, $3  }
0x1: {  	(tag) =	ssettag $0x0;
	lr =	simm.s32 $0x1  }
0x2: {  	[smem:$0x3F9E] =	sst lr;
	_ =	strace $0xD0000000  }
0x3: {  	_ = 	snop  }
0x4: {  	_ = 	snop  }
0x5: {  	_ = 	snop  }
0x6: {  	_ = 	snop  }
0x7: {  	_ = 	snop  }
__scs_overlays_trampoline_lowered:
0x8: {  	[smem:$0x3FAD] =	sst s0  }
0x9: {  	[smem:$0x3FAE] =	sst s1  }
0xa: {  	[smem:$0x3FAF] =	sst s2  }
0xb: {  	[smem:$0x3FB0] =	sst s3  }
0xc: {  	[smem:$0x3FB1] =	sst s4  }
0xd: {  	[smem:$0x3FB2] =	sst s5  }
0xe: {  	[smem:$0x3FB3] =	sst s6  }
0xf: {  	[smem:$0x3FB4] =	sst s7  }
0x10: {  	[smem:$0x3FB5] =	sst s8  }
0x11: {  	[smem:$0x3FB6] =	sst s9;
	s0 =	simm.s32 @!p0 $0x0  }
0x12: {  	s1 =	sld [smem:$0x3F9C];
	s0 =	simm.s32 @p0 $0x1  }
0x13: {  	[smem:$0x3FB7] =	sst s0;
	s0 =	simm.s32 @!p1 $0x0  }
0x14: {  	s2 =	sld [smem:$0x3F9B];
	s0 =	simm.s32 @p1 $0x1  }
0x15: {  	[smem:$0x3FB8] =	sst s0;
	s0 =	simm.s32 @!p2 $0x0  }
0x16: {  	s3 =	sld [smem:$0x3FDB];
	s0 =	simm.s32 @p2 $0x1  }
0x17: {  	s4 =	simm.s32 $0x1BF5;
	[smem:$0x3FBA] =	sst s0  }
0x18: {  	s0 =	sld [smem:$0x3F9D];
	_ =	swait.ge [sflag:s4], $0x0  }
0x19: {  	s7 =	sld [smem:$0x3F9E]  }
0x1a: {  	s8 =	sadd.s32 $0xFFFFE003, lr  }
0x1b: {  	s9 =	sadd.s32 $0xFFFFFEF7, lr;
	s5 =	simm.s32 $0xFFFFFFFF;
	p2 =	slt.u32 s8, $0xFFFFF086  }
0x1c: {  	p1 =	slt.u32 s9, $0xF7A;
	s5 =	simm.s32 @!p2 $0x0  }
0x1d: {  	s5 =	simm.s32 @p1 $0x1;
	p0 =	seq.s32 s7, s2  }
0x1e: {  	s7 =	smul.u32 @!p0 $0xF7A, s2;
	p2 =	seq.s32 @!p0 s5, $0x0  }
0x1f: {  	s9 =	smul.u32 $0xF7A, s1;
	s8 =	simm.s32 @!p0 $0x1BF5;
	p2 =	por !p2, p0  }
0x20: {  	[sflag:s8] =	ssyncset.s32 @!p0 $0xFFFFF086;
	s6 =	sadd.s32 @!p0 s3, s7;
	s7 =	simm.s32 @!p0 $0x108  }
0x21: {  	s3 =	sadd.s32 s3, s9;
	s6 =	sadd.s32 @!p0 $0x88, s6;
	s7 =	simm.s32 @p2 $0x1082  }
0x22: {  	[simem:s7], [sflag:s8] =	dma.local @!p0 [hbm:s6], $0xF7A  }
0x23: {  	s9 =	sor.u32 $0xD0000000, s2;
	s6 =	simm.s32 $0x108;
	_ =	swait.ge @!p0 [sflag:s8], $0x0  }
0x24: {  	s3 =	sadd.s32 $0x88, s3;
	s6 =	simm.s32 @!p1 $0x1082;
	[sflag:s4] =	ssyncset.s32 $0xFFFFF086  }
0x25: {  	[simem:s6], [sflag:s4] =	dma.local [hbm:s3], $0xF7A  }
0x26: {  	[smem:$0x3F9E] =	sst s1;
	(tag) =	ssettag s2;
	_ =	strace s9  }
0x27: {  	s1 =	sld [smem:$0x3FAE]  }
0x28: {  	s2 =	sld [smem:$0x3FAF]  }
0x29: {  	s4 =	sld [smem:$0x3FB1]  }
0x2a: {  	p0 =	seq.s32 s5, $0x0;
	s5 =	sld [smem:$0x3FB2]  }
0x2b: {  	s6 =	sld [smem:$0x3FB3]  }
0x2c: {  	s7 =	sld [smem:$0x3FB4]  }
0x2d: {  	s3 =	simm.s32 $0x108;
	s8 =	sld [smem:$0x3FB5]  }
0x2e: {  	s3 =	simm.s32 @!p0 $0x1082;
	s9 =	sld [smem:$0x3FB6]  }
0x2f: {  	lr =	sadd.s32 s0, s3;
	s0 =	sld [smem:$0x3FAD]  }
0x30: {  	s3 =	sld [smem:$0x3FB0]  }
0x31: {  	[smem:$0x3FB9] =	sst s10  }
0x32: {  	s10 =	sld [smem:$0x3FB7];
	_ =	sdelay $0x3  }
0x33: {  	p0 =	seq.s32 s10, $0x1;
	s10 =	sld [smem:$0x3FB9];
	_ =	sdelay $0x3  }
0x34: {  	[smem:$0x3FB9] =	sst s10  }
0x35: {  	s10 =	sld [smem:$0x3FB8];
	_ =	sdelay $0x3  }
0x36: {  	p1 =	seq.s32 s10, $0x1;
	s10 =	sld [smem:$0x3FB9];
	_ =	sdelay $0x3  }
0x37: {  	[smem:$0x3FB9] =	sst s10  }
0x38: {  	s10 =	sld [smem:$0x3FBA]  }
0x39: {  	_ = 	snop;
	(pc) =	sbr.ind lr, $3  }
0x3a: {  	_ = 	snop  }
0x3b: {  	_ = 	snop  }
0x3c: {  	p2 =	seq.s32 s10, $0x1;
	s10 =	sld [smem:$0x3FB9]  }
0x3d: {  	_ =	shalt  }
0x3e: {  	_ =	shalt  }
0x3f: {  	_ =	shalt  }
0x40: {  	_ =	shalt  }
0x41: {  	_ =	shalt  }
0x42: {  	_ =	shalt  }
0x43: {  	_ =	shalt  }
0x44: {  	_ =	shalt  }
0x45: {  	_ =	shalt  }
0x46: {  	_ =	shalt  }
0x47: {  	_ =	shalt  }
0x48: {  	_ =	shalt  }
0x49: {  	_ =	shalt  }
0x4a: {  	_ =	shalt  }
0x4b: {  	_ =	shalt  }
0x4c: {  	_ =	shalt  }
0x4d: {  	_ =	shalt  }
0x4e: {  	_ =	shalt  }
0x4f: {  	_ =	shalt  }
0x50: {  	_ =	shalt  }
0x51: {  	_ =	shalt  }
0x52: {  	_ =	shalt  }
0x53: {  	_ =	shalt  }
0x54: {  	_ =	shalt  }
0x55: {  	_ =	shalt  }
0x56: {  	_ =	shalt  }
0x57: {  	_ =	shalt  }
0x58: {  	_ =	shalt  }
0x59: {  	_ =	shalt  }
0x5a: {  	_ =	shalt  }
0x5b: {  	_ =	shalt  }
0x5c: {  	_ =	shalt  }
0x5d: {  	_ =	shalt  }
0x5e: {  	_ =	shalt  }
0x5f: {  	_ =	shalt  }
0x60: {  	_ =	shalt  }
0x61: {  	_ =	shalt  }
0x62: {  	_ =	shalt  }
0x63: {  	_ =	shalt  }
0x64: {  	_ =	shalt  }
0x65: {  	_ =	shalt  }
0x66: {  	_ =	shalt  }
0x67: {  	_ =	shalt  }
0x68: {  	_ =	shalt  }
0x69: {  	_ =	shalt  }
0x6a: {  	_ =	shalt  }
0x6b: {  	_ =	shalt  }
0x6c: {  	_ =	shalt  }
0x6d: {  	_ =	shalt  }
0x6e: {  	_ =	shalt  }
0x6f: {  	_ =	shalt  }
0x70: {  	_ =	shalt  }
0x71: {  	_ =	shalt  }
0x72: {  	_ =	shalt  }
0x73: {  	_ =	shalt  }
0x74: {  	_ =	shalt  }
0x75: {  	_ =	shalt  }
0x76: {  	_ =	shalt  }
0x77: {  	_ =	shalt  }
0x78: {  	_ =	shalt  }
0x79: {  	_ =	shalt  }
0x7a: {  	_ =	shalt  }
0x7b: {  	_ =	shalt  }
0x7c: {  	_ =	shalt  }
0x7d: {  	_ =	shalt  }
0x7e: {  	_ =	shalt  }
0x7f: {  	_ =	shalt  }
0x80: {  	_ =	shalt  }
0x81: {  	_ =	shalt  }
0x82: {  	_ =	shalt  }
0x83: {  	_ =	shalt  }
0x84: {  	_ =	shalt  }
0x85: {  	_ =	shalt  }
0x86: {  	_ =	shalt  }
0x87: {  	_ =	shalt  }
.Lfunc_end0:
.L_simem_size_0:
called_computation.1_lowered:
.L_overlay_start_0:
0x88: {  	s2 =	sld [smem:$0x3FD9]  }
0x89: {  	s3 =	sld [smem:$0x3FFE];
	_ =	sdelay $0x1  }
0x8a: {  	s1 =	srdreg.scid  }
0x8b: {  	s0 =	sand.u32 $0x1, s1  }
0x8c: {  	s14 =	sshll.u32 s0, $0xA;
	s2 =	sadd.s32 s3, s2  }
0x8d: {  	s2 =	sadd.s32 s2, s14  }
0x8e: {  	[smem:$0x3FC5] =	sst s2  }
0x8f: {  	_ = 	snop  }
0x90: {  	s2 =	sld [smem:$0x3FD0];
	_ =	sdelay $0x2  }
0x91: {  	s15 =	simm.s32 $0xA;
	s4 =	simm.s32 $0x10  }
0x92: {  	[smem:s4], [sflag:s15] =	dma.local [hbm:s2], $0x1  }
0x93: {  	_ =	swait.eq [sflag:s15], $0x1  }
0x94: {  	[sflag:s15] =	ssyncset.done $0x0  }
0x95: {  	[sflag:s15] =	ssyncadd.s32 $0xFFFFFFFF  }
0x96: {  	s16 =	sld [smem:$0x10];
	(tm) =	ssettm $0x1  }
0x97: {  	s17 =	sld [smem:$0x3FFB];
	_ =	sdelay $0x3  }
0x98: {  	_ =	strace s17  }
0x99: {  	s3 =	sld [smem:$0x3FFC];
	_ =	sdelay $0x3  }
0x9a: {  	_ =	strace s3  }
0x9b: {  	s3 =	sld [smem:$0x3FFD];
	_ =	sdelay $0x3  }
0x9c: {  	_ =	strace s3  }
0x9d: {  	_ =	strace $0x8FFFFFFF  }
0x9e: {  	s18 =	sld [smem:$0x3FDB];
	_ =	sdelay $0x1  }
0x9f: {  	s19 =	simm.s32 $_scs_section_size  }
0xa0: {  	s5 =	simm.s32 $_size__tile_overlayer_lowered;
	s6 =	simm.s32 $_tile_overlayer_lowered  }
0xa1: {  	s22 =	simm.s32 $0x1BFF;
	s21 =	sshll.u32 s6, $0x1;
	s3 =	sadd.s32 s19, s18  }
0xa2: {  	s7 =	simm.s32 $0x0;
	s20 =	sshll.u32 s5, $0x1;
	s5 =	sadd.s32 s21, s3  }
0xa3: {  	[timem:s7], [sflag:s22] =	dma.local [hbm:s5], s20  }
0xa4: {  	_ =	swait.ge [sflag:s22], s20  }
0xa5: {  	s4 =	ssub.s32 $0x0, s20;
	[sflag:s22] =	ssyncset.done $0x0  }
0xa6: {  	[sflag:s22] =	ssyncadd.s32 s4;
	_ =	sdelay $0x1  }
0xa7: {  	s23 =	simm.s32 $0x1B8B  }
0xa8: {  	_ =	swait.ge [sflag:s23], $0x1  }
0xa9: {  	[sflag:s23] =	ssyncset.done $0x0  }
0xaa: {  	s25 =	simm.s32 $0x1B8E;
	s24 =	sld [smem:$0x3FFE];
	[sflag:s23] =	ssyncadd.s32 $0xFFFFFFFF  }
0xab: {  	s26 =	simm.s32 $execute0_lowered;
	[smem:$0x3FD2] =	sst s25  }
0xac: {  	s5 =	sshll.u32 s26, $0x1;
	_ =	strace $0x80000046;
	[dreg:$0x1] =	wrdreg $0xFFFFFFFF  }
0xad: {  	s28 =	simm.s32 $_size_execute0_lowered;
	s3 =	sadd.s32 s3, s5;
	[dreg:$0x0] =	wrdreg $0x0  }
0xae: {  	s5 =	sshll.u32 s28, $0x1;
	[dreg:$0x2] =	wrdreg s3  }
0xaf: {  	[dreg:$0x3] =	wrdreg s5  }
0xb0: {  	[dreg:$0x4] =	wrdreg $0xC0  }
0xb1: {  	_ =	task [dreg:s7], $0x5FFFF  }
0xb2: {  	[dreg:$0x1] =	wrdreg $0xFFFFFFFF  }
0xb3: {  	[dreg:$0x0] =	wrdreg $0x60  }
0xb4: {  	[dreg:$0x2] =	wrdreg s16  }
0xb5: {  	[dreg:$0x3] =	wrdreg s24  }
0xb6: {  	[dreg:$0x4] =	wrdreg $0x9  }
0xb7: {  	_ =	task.clear_ibuf [dreg:s7], $0x5FFFF;
	_ =	strace $0x90000046  }
0xb8: {  	s29 =	simm.s32 $0x9;
	_ =	strace $0x80000048  }
0xb9: {  	_ =	swait.ge [sflag:s29], $0x1  }
0xba: {  	[sflag:s29] =	ssyncadd.s32 $0xFFFFFFFF  }
0xbb: {  	_ =	strace $0x90000048  }
0xbc: {  	_ =	sfence  }
0xbd: {  	s30 =	sld [smem:$0x0];
	_ =	sdelay $0x2  }
0xbe: {  	s31 =	sshll.u32 s1, $0xD;
	s1 =	sshrl.u32 s1, $0x2  }
0xbf: {  	s3 =	sand.u32 $0x4000, s31;
	s1 =	sadd.s32 s1, s30  }
0xc0: {  	s0 =	sor.u32 s3, s0;
	s1 =	sshll.u32 s1, $0x11  }
0xc1: {  	s0 =	sor.u32 s1, s0  }
0xc2: {  	s0 =	sadd.s32 $0x8F2B, s0  }
0xc3: {  	[sflag:s0] =	ssyncadd.remote.s32 $0x1  }
0xc4: {  	_ =	sfence.sel $0xFFFF  }
0xc5: {  	[dreg:$0x0] =	wrdreg $0xFFFFFFFF;
	(pc) =	sbr.abs _section_cstart, $3  }
0xc6: {  	[dreg:$0x1] =	wrdreg $0xFFFFFFFF  }
0xc7: {  	_ =	task.clear_ibuf [dreg:s7], $0x2FFFF;
	_ =	strace $0x9FFFFFFF  }
0xc8: {  	(tm) =	ssettm $0x7FFFFFFF  }
0xc9: {  	_ =	shalt  }
tec
execute0_lowered:
.L_overlay_start_1:
0x0: {  	(tag) =	ssettag $0x1  }
0x1: {  	s0 =	srdreg.scid;
	s2 =	rddreg [dreg:$0x0]  }
0x2: {  	s11 =	stileid.u32;
	s4 =	rddreg [dreg:$0x1]  }
0x3: {  	s3 =	simm.s32 $0x0;
	s14 =	simm.s32 $0xC;
	s18 =	simm.s32 $0x1A00  }
0x4: {  	s20 =	simm.s32 $0xDA00;
	s30 =	simm.s32 $0x11A00;
	s17 =	simm.s32 $0x2  }
0x5: {  	s12 =	simm.s32 $0x3;
	s16 =	simm.s32 $0x4;
	s19 =	simm.s32 $0x5  }
0x6: {  	s28 =	simm.s32 $0xB;
	s29 =	simm.s32 $0x0;
	s0 =	sand.u32 $0x1, s0  }
0x7: {  	s1 =	sshll.u32 s11, $0x1;
	[smem:$0x7FF] =	sst s3;
	s6 =	sadd.s32 $0x2C00, s4  }
0x8: {  	s21 =	sadd.s32 $0x21600, s4;
	s7 =	sadd.s32 $0x23400, s4;
	s10 =	sadd.s32 $0x300, s2  }
0x9: {  	s24 =	smul.u32 $0x64000, s11;
	_ =	strace $0x80000047;
	[dreg:$0x3] =	wrdreg s6  }
0xa: {  	s11 =	simm.s32 $0x15200;
	s1 =	sor.u32 s0, s1;
	[dreg:$0x4] =	wrdreg s21  }
0xb: {  	s22 =	ssub.s32 $0x2, s0;
	s0 =	smul.u32 $0x32000, s0;
	s21 =	simm.s32 $0x6  }
0xc: {  	s5 =	smul.u32 $0x640, s1;
	s8 =	sshll.u32 s1, $0x4;
	s9 =	sshrl.u32 s22, $0x1  }
0xd: {  	s1 =	smul.u32 $0x32000, s1;
	s31 =	sadd.s32 s24, s7;
	s24 =	simm.s32 $0x9  }
0xe: {  	s6 =	ssub.s32 s22, s9;
	s9 =	sadd.s32 $0x200, s2;
	s15 =	sadd.s32 s0, s31  }
0xf: {  	s0 =	simm.s32 $0x13200;
	s22 =	simm.s32 $0x7;
	s5 =	sshrl.u32 s5, $0x3  }
0x10: {  	s1 =	sadd.s32 s7, s1;
	s25 =	smax.u32 s6, $0x1;
	s6 =	simm.s32 $0x14200  }
0x11: {  	s7 =	simm.s32 $0x14A00;
	[dreg:$0x8] =	wrdreg s25;
	s26 =	sadd.s32 $0x30000, s1  }
0x12: {  	s5 =	sadd.s32 s5, s4;
	s1 =	sadd.s32 $0x31000, s1;
	[dreg:$0x9] =	wrdreg s26  }
0x13: {  	s4 =	sadd.s32 s8, s4;
	s23 =	sadd.s32 $0x1200, s5;
	[dreg:$0xa] =	wrdreg s1  }
0x14: {  	s8 =	sadd.s32 $0x100, s2;
	s5 =	sadd.s32 $0x21800, s5;
	[dreg:$0x5] =	wrdreg s23  }
0x15: {  	v2 =	vlaneseq.u32;
	s25 =	simm.s32 $0xA;
	s4 =	sadd.s32 $0x23200, s4;
	[dreg:$0x6] =	wrdreg s5  }
0x16: {  	vm0 =	vmmov $0xffff;
	v1 =	vshrl.u32 v2, $0x3;
	s26 =	simm.s32 $0x5A00;
	s1 =	simm.s32 $0x12A00;
	[dreg:$0x7] =	wrdreg s4  }
0x17: {  	v0 =	vand.u32 $0x7, v2;
	v2 =	vor.u32 $0x8, v2;
	v1 =	vmul.u32 $0x8, v1;
	s5 =	simm.s32 $0x9A00;
	s4 =	simm.s32 $0x13A00;
	s23 =	simm.s32 $0x8  }
.LBB2_1:
0x18: {  	[dreg:$0xb] =	wrdreg s29  }
0x19: {  	s13 =	rddreg [dreg:$0x5]  }
0x1a: {  	[tilespmem:s3], [sflag:$0xC] =	stream.linear.gather [hbm4b:s13+s3], $0x640, $0x38;
	[tilespmem:$0x15A80] =	vst v63  }
0x1b: {  	_ =	swait.ge [sflag:s14], $0x640  }
0x1c: {  	[sflag:s14] =	ssyncset.done $0x0  }
0x1d: {  	s29 =	simm.s32 $0x680;
	s31 =	rddreg [dreg:$0x6];
	[sflag:s14] =	ssyncadd.s32 $0xFFFFF9C0  }
0x1e: {  	[tilespmem:s29], [sflag:$0xC] =	stream.linear.gather [hbm4b:s31+s3], $0x640, $0x38;
	[tilespmem:$0x15A80] =	vst v63  }
0x1f: {  	_ =	swait.ge [sflag:s14], $0x640  }
0x20: {  	[sflag:s14] =	ssyncset.done $0x0  }
0x21: {  	[sflag:s14] =	ssyncadd.s32 $0xFFFFF9C0  }
0x22: {  	v3 =	vld [tilespmem:$0x0];
	_ =	sdelay $0x4  }
0x23: {  	v4 =	vshll.u32 v3, $0x3  }
0x24: {  	v3 =	vand.u32 $0x7, v3;
	v4 =	vand.u32 $0xFFFFFFC0, v4  }
0x25: {  	v3 =	vor.u32 v3, v4  }
0x26: {  	v4 =	vperm.xlane v3, v0;
	_ =	sdelay $0x1  }
0x27: {  	v4 =	vadd.s32 v1, v4;
	_ =	sdelay $0x4  }
0x28: {  	[tilespmem:s18], [sflag:$0x2] =	stream.indirect_vreg.gather [hbm4b:s2+s3], $0x80, v4, vm0, $0xb8;
	[tilespmem:$0x15A80] =	vst v63  }
0x29: {  	s14 =	simm.s32 $0x2200;
	v3 =	vperm.xlane v3, v2  }
0x2a: {  	[tilespmem:s14], [sflag:$0x2] =	stream.indirect_vreg.gather [hbm4b:s8+s3], $0x80, v4, vm0, $0xb8;
	[tilespmem:$0x15A80] =	vst v63  }
0x2b: {  	s31 =	simm.s32 $0x2A00;
	v3 =	vadd.s32 v1, v3  }
0x2c: {  	[tilespmem:s31], [sflag:$0x2] =	stream.indirect_vreg.gather [hbm4b:s9+s3], $0x80, v4, vm0, $0xb8;
	[tilespmem:$0x15A80] =	vst v63  }
0x2d: {  	s14 =	simm.s32 $0x3200  }
0x2e: {  	[tilespmem:s14], [sflag:$0x2] =	stream.indirect_vreg.gather [hbm4b:s10+s3], $0x80, v4, vm0, $0xb8;
	[tilespmem:$0x15A80] =	vst v63  }
0x2f: {  	s31 =	simm.s32 $0x3A00  }
0x30: {  	[tilespmem:s31], [sflag:$0x2] =	stream.indirect_vreg.gather [hbm4b:s2+s3], $0x80, v3, vm0, $0xb8;
	[tilespmem:$0x15A80] =	vst v63  }
0x31: {  	s14 =	simm.s32 $0x4200  }
0x32: {  	[tilespmem:s14], [sflag:$0x2] =	stream.indirect_vreg.gather [hbm4b:s8+s3], $0x80, v3, vm0, $0xb8;
	[tilespmem:$0x15A80] =	vst v63  }
0x33: {  	s31 =	simm.s32 $0x4A00  }
0x34: {  	[tilespmem:s31], [sflag:$0x2] =	stream.indirect_vreg.gather [hbm4b:s9+s3], $0x80, v3, vm0, $0xb8;
	[tilespmem:$0x15A80] =	vst v63  }
0x35: {  	s14 =	simm.s32 $0x5200  }
0x36: {  	[tilespmem:s14], [sflag:$0x2] =	stream.indirect_vreg.gather [hbm4b:s10+s3], $0x80, v3, vm0, $0xb8;
	[tilespmem:$0x15A80] =	vst v63  }
0x37: {  	v3 =	vld [tilespmem:$0x10];
	_ =	sdelay $0x4  }
0x38: {  	v60 =	vshll.u32 v3, $0x3  }
0x39: {  	v3 =	vand.u32 $0x7, v3;
	v4 =	vand.u32 $0xFFFFFFC0, v60  }
0x3a: {  	v3 =	vor.u32 v3, v4  }
0x3b: {  	v4 =	vperm.xlane v3, v0;
	_ =	sdelay $0x1  }
0x3c: {  	v4 =	vadd.s32 v1, v4;
	_ =	sdelay $0x4  }
0x3d: {  	[tilespmem:s26], [sflag:$0x3] =	stream.indirect_vreg.gather [hbm4b:s2+s3], $0x80, v4, vm0, $0xb8;
	[tilespmem:$0x15A80] =	vst v63  }
0x3e: {  	s31 =	simm.s32 $0x6200;
	v3 =	vperm.xlane v3, v2  }
0x3f: {  	[tilespmem:s31], [sflag:$0x3] =	stream.indirect_vreg.gather [hbm4b:s8+s3], $0x80, v4, vm0, $0xb8;
	[tilespmem:$0x15A80] =	vst v63  }
0x40: {  	s14 =	simm.s32 $0x6A00;
	v3 =	vadd.s32 v1, v3  }
0x41: {  	[tilespmem:s14], [sflag:$0x3] =	stream.indirect_vreg.gather [hbm4b:s9+s3], $0x80, v4, vm0, $0xb8;
	[tilespmem:$0x15A80] =	vst v63  }
0x42: {  	s31 =	simm.s32 $0x7200  }
0x43: {  	[tilespmem:s31], [sflag:$0x3] =	stream.indirect_vreg.gather [hbm4b:s10+s3], $0x80, v4, vm0, $0xb8;
	[tilespmem:$0x15A80] =	vst v63  }
0x44: {  	s14 =	simm.s32 $0x7A00  }
0x45: {  	[tilespmem:s14], [sflag:$0x3] =	stream.indirect_vreg.gather [hbm4b:s2+s3], $0x80, v3, vm0, $0xb8;
	[tilespmem:$0x15A80] =	vst v63  }
0x46: {  	s31 =	simm.s32 $0x8200  }
0x47: {  	[tilespmem:s31], [sflag:$0x3] =	stream.indirect_vreg.gather [hbm4b:s8+s3], $0x80, v3, vm0, $0xb8;
	[tilespmem:$0x15A80] =	vst v63  }
0x48: {  	s14 =	simm.s32 $0x8A00  }
0x49: {  	[tilespmem:s14], [sflag:$0x3] =	stream.indirect_vreg.gather [hbm4b:s9+s3], $0x80, v3, vm0, $0xb8;
	[tilespmem:$0x15A80] =	vst v63  }
0x4a: {  	s31 =	simm.s32 $0x9200  }
0x4b: {  	[tilespmem:s31], [sflag:$0x3] =	stream.indirect_vreg.gather [hbm4b:s10+s3], $0x80, v3, vm0, $0xb8;
	[tilespmem:$0x15A80] =	vst v63  }
0x4c: {  	v3 =	vld [tilespmem:$0x20];
	_ =	sdelay $0x4  }
0x4d: {  	v61 =	vshll.u32 v3, $0x3  }
0x4e: {  	v3 =	vand.u32 $0x7, v3;
	v4 =	vand.u32 $0xFFFFFFC0, v61  }
0x4f: {  	v3 =	vor.u32 v3, v4  }
0x50: {  	v4 =	vperm.xlane v3, v0;
	_ =	sdelay $0x1  }
0x51: {  	v4 =	vadd.s32 v1, v4;
	_ =	sdelay $0x4  }
0x52: {  	[tilespmem:s5], [sflag:$0x4] =	stream.indirect_vreg.gather [hbm4b:s2+s3], $0x80, v4, vm0, $0xb8;
	[tilespmem:$0x15A80] =	vst v63  }
0x53: {  	s14 =	simm.s32 $0xA200;
	v3 =	vperm.xlane v3, v2  }
0x54: {  	[tilespmem:s14], [sflag:$0x4] =	stream.indirect_vreg.gather [hbm4b:s8+s3], $0x80, v4, vm0, $0xb8;
	[tilespmem:$0x15A80] =	vst v63  }
0x55: {  	s31 =	simm.s32 $0xAA00;
	v3 =	vadd.s32 v1, v3  }
0x56: {  	[tilespmem:s31], [sflag:$0x4] =	stream.indirect_vreg.gather [hbm4b:s9+s3], $0x80, v4, vm0, $0xb8;
	[tilespmem:$0x15A80] =	vst v63  }
0x57: {  	s14 =	simm.s32 $0xB200  }
0x58: {  	[tilespmem:s14], [sflag:$0x4] =	stream.indirect_vreg.gather [hbm4b:s10+s3], $0x80, v4, vm0, $0xb8;
	[tilespmem:$0x15A80] =	vst v63  }
0x59: {  	s31 =	simm.s32 $0xBA00  }
0x5a: {  	[tilespmem:s31], [sflag:$0x4] =	stream.indirect_vreg.gather [hbm4b:s2+s3], $0x80, v3, vm0, $0xb8;
	[tilespmem:$0x15A80] =	vst v63  }
0x5b: {  	s14 =	simm.s32 $0xC200  }
0x5c: {  	[tilespmem:s14], [sflag:$0x4] =	stream.indirect_vreg.gather [hbm4b:s8+s3], $0x80, v3, vm0, $0xb8;
	[tilespmem:$0x15A80] =	vst v63  }
0x5d: {  	s31 =	simm.s32 $0xCA00  }
0x5e: {  	[tilespmem:s31], [sflag:$0x4] =	stream.indirect_vreg.gather [hbm4b:s9+s3], $0x80, v3, vm0, $0xb8;
	[tilespmem:$0x15A80] =	vst v63  }
0x5f: {  	s14 =	simm.s32 $0xD200  }
0x60: {  	[tilespmem:s14], [sflag:$0x4] =	stream.indirect_vreg.gather [hbm4b:s10+s3], $0x80, v3, vm0, $0xb8;
	[tilespmem:$0x15A80] =	vst v63  }
0x61: {  	v3 =	vld [tilespmem:$0x30];
	_ =	sdelay $0x4  }
0x62: {  	v62 =	vshll.u32 v3, $0x3  }
0x63: {  	v3 =	vand.u32 $0x7, v3;
	v4 =	vand.u32 $0xFFFFFFC0, v62  }
0x64: {  	v3 =	vor.u32 v3, v4  }
0x65: {  	v4 =	vperm.xlane v3, v0;
	_ =	sdelay $0x1  }
0x66: {  	v4 =	vadd.s32 v1, v4;
	_ =	sdelay $0x4  }
0x67: {  	[tilespmem:s20], [sflag:$0x5] =	stream.indirect_vreg.gather [hbm4b:s2+s3], $0x80, v4, vm0, $0xb8;
	[tilespmem:$0x15A80] =	vst v63  }
0x68: {  	s31 =	simm.s32 $0xE200;
	v3 =	vperm.xlane v3, v2  }
0x69: {  	[tilespmem:s31], [sflag:$0x5] =	stream.indirect_vreg.gather [hbm4b:s8+s3], $0x80, v4, vm0, $0xb8;
	[tilespmem:$0x15A80] =	vst v63  }
0x6a: {  	s14 =	simm.s32 $0xEA00;
	v3 =	vadd.s32 v1, v3  }
0x6b: {  	[tilespmem:s14], [sflag:$0x5] =	stream.indirect_vreg.gather [hbm4b:s9+s3], $0x80, v4, vm0, $0xb8;
	[tilespmem:$0x15A80] =	vst v63  }
0x6c: {  	s31 =	simm.s32 $0xF200  }
0x6d: {  	[tilespmem:s31], [sflag:$0x5] =	stream.indirect_vreg.gather [hbm4b:s10+s3], $0x80, v4, vm0, $0xb8;
	[tilespmem:$0x15A80] =	vst v63  }
0x6e: {  	s14 =	simm.s32 $0xFA00  }
0x6f: {  	[tilespmem:s14], [sflag:$0x5] =	stream.indirect_vreg.gather [hbm4b:s2+s3], $0x80, v3, vm0, $0xb8;
	[tilespmem:$0x15A80] =	vst v63  }
0x70: {  	s31 =	simm.s32 $0x10200  }
0x71: {  	[tilespmem:s31], [sflag:$0x5] =	stream.indirect_vreg.gather [hbm4b:s8+s3], $0x80, v3, vm0, $0xb8;
	[tilespmem:$0x15A80] =	vst v63  }
0x72: {  	s14 =	simm.s32 $0x10A00  }
0x73: {  	[tilespmem:s14], [sflag:$0x5] =	stream.indirect_vreg.gather [hbm4b:s9+s3], $0x80, v3, vm0, $0xb8;
	[tilespmem:$0x15A80] =	vst v63  }
0x74: {  	s31 =	simm.s32 $0x11200  }
0x75: {  	[tilespmem:s31], [sflag:$0x5] =	stream.indirect_vreg.gather [hbm4b:s10+s3], $0x80, v3, vm0, $0xb8;
	[tilespmem:$0x15A80] =	vst v63  }
0x76: {  	v3 =	vld [tilespmem:$0x40];
	_ =	sdelay $0x4  }
0x77: {  	v63 =	vshll.u32 v3, $0x3  }
0x78: {  	v3 =	vand.u32 $0x7, v3;
	v4 =	vand.u32 $0xFFFFFFC0, v63  }
0x79: {  	v3 =	vor.u32 v3, v4  }
0x7a: {  	v4 =	vperm.xlane v3, v0;
	_ =	sdelay $0x1  }
0x7b: {  	v4 =	vadd.s32 v1, v4;
	_ =	sdelay $0x4  }
0x7c: {  	[tilespmem:s30], [sflag:$0x6] =	stream.indirect_vreg.gather [hbm4b:s2+s3], $0x80, v4, vm0, $0xb8;
	[tilespmem:$0x15A80] =	vst v63  }
0x7d: {  	s14 =	simm.s32 $0x12200;
	v3 =	vperm.xlane v3, v2  }
0x7e: {  	[tilespmem:s14], [sflag:$0x6] =	stream.indirect_vreg.gather [hbm4b:s8+s3], $0x80, v4, vm0, $0xb8;
	[tilespmem:$0x15A80] =	vst v63  }
0x7f: {  	v3 =	vadd.s32 v1, v3  }
0x80: {  	[tilespmem:s1], [sflag:$0x6] =	stream.indirect_vreg.gather [hbm4b:s9+s3], $0x80, v4, vm0, $0xb8;
	[tilespmem:$0x15A80] =	vst v63  }
0x81: {  	_ = 	snop  }
0x82: {  	[tilespmem:s0], [sflag:$0x6] =	stream.indirect_vreg.gather [hbm4b:s10+s3], $0x80, v4, vm0, $0xb8;
	[tilespmem:$0x15A80] =	vst v63  }
0x83: {  	_ = 	snop  }
0x84: {  	[tilespmem:s4], [sflag:$0x6] =	stream.indirect_vreg.gather [hbm4b:s2+s3], $0x80, v3, vm0, $0xb8;
	[tilespmem:$0x15A80] =	vst v63  }
0x85: {  	_ = 	snop  }
0x86: {  	[tilespmem:s6], [sflag:$0x6] =	stream.indirect_vreg.gather [hbm4b:s8+s3], $0x80, v3, vm0, $0xb8;
	[tilespmem:$0x15A80] =	vst v63  }
0x87: {  	_ = 	snop  }
0x88: {  	[tilespmem:s7], [sflag:$0x6] =	stream.indirect_vreg.gather [hbm4b:s9+s3], $0x80, v3, vm0, $0xb8;
	[tilespmem:$0x15A80] =	vst v63  }
0x89: {  	_ = 	snop  }
0x8a: {  	[tilespmem:s11], [sflag:$0x6] =	stream.indirect_vreg.gather [hbm4b:s10+s3], $0x80, v3, vm0, $0xb8;
	[tilespmem:$0x15A80] =	vst v63  }
0x8b: {  	s13 =	rddreg [dreg:$0x3];
	s31 =	simm.s32 $0xD00;
	s14 =	simm.s32 $0x640  }
0x8c: {  	[tilespmem:s31], [sflag:$0x1] =	stream.indirect.gather [hbm4b:s13+s14], $0x1, s29, s14, $0xb8;
	[tilespmem:$0x15A80] =	vst v63  }
0x8d: {  	s31 =	rddreg [dreg:$0x4];
	s29 =	simm.s32 $0x1380  }
0x8e: {  	[tilespmem:s29], [sflag:$0x1] =	stream.indirect.gather [hbm4b:s31+s14], $0x1, s3, s14, $0xb8;
	[tilespmem:$0x15A80] =	vst v63  }
0x8f: {  	s13 =	simm.s32 $0x0;
	s29 =	simm.s32 $0x90  }
.LBB2_2:
0x90: {  	p0 =	seq.s32 s13, $0x2F800  }
.Ltmp0:
0x91: {  	_ = 	snop;
	(pc) =	sbr.rel @!p0 .LBB2_3-.Ltmp0, $4  }
0x92: {  	_ =	swait.ge [sflag:s17], $0x4000  }
0x93: {  	[sflag:s17] =	ssyncset.done $0x0  }
0x94: {  	s14 =	sadd.s32 s13, s15;
	[sflag:s17] =	ssyncadd.s32 $0xFFFFC000  }
0x95: {  	[hbm4b:s14+s3] =	stream.linear.scatter [tilespmem:s18], [sflag:$0x7], $0x4000, $0x38;
	[tilespmem:$0x15A80] =	vst v63  }
.Ltmp1:
0x96: {  	(pc) =	sbr.rel .LBB2_5-.Ltmp1, $4  }
0x97: {  	_ =	swait.ge [sflag:s12], $0x4000  }
0x98: {  	[sflag:s12] =	ssyncset.done $0x0  }
0x99: {  	s31 =	rddreg [dreg:$0x9];
	[sflag:s12] =	ssyncadd.s32 $0xFFFFC000  }
0x9a: {  	[hbm4b:s31+s3] =	stream.linear.scatter [tilespmem:s26], [sflag:$0x8], $0x4000, $0x38;
	[tilespmem:$0x15A80] =	vst v63  }
.LBB2_3:
0x9b: {  	_ =	swait.ge [sflag:s22], $0x4000  }
0x9c: {  	[sflag:s22] =	ssyncset.done $0x0  }
0x9d: {  	[sflag:s22] =	ssyncadd.s32 $0xFFFFC000  }
0x9e: {  	v3 =	vld [tilespmem:s29+$0xFFFFFFC0];
	_ =	sdelay $0x4  }
0x9f: {  	v4 =	vshll.u32 v3, $0x3  }
0xa0: {  	v3 =	vand.u32 $0x7, v3;
	v4 =	vand.u32 $0xFFFFFFC0, v4  }
0xa1: {  	v3 =	vor.u32 v3, v4  }
0xa2: {  	v4 =	vperm.xlane v3, v0;
	_ =	sdelay $0x1  }
0xa3: {  	v4 =	vadd.s32 v1, v4;
	_ =	sdelay $0x4  }
0xa4: {  	[tilespmem:s18], [sflag:$0x2] =	stream.indirect_vreg.gather [hbm4b:s2+s3], $0x80, v4, vm0, $0xb8;
	[tilespmem:$0x15A80] =	vst v63  }
0xa5: {  	s31 =	simm.s32 $0x2200;
	v3 =	vperm.xlane v3, v2  }
0xa6: {  	[tilespmem:s31], [sflag:$0x2] =	stream.indirect_vreg.gather [hbm4b:s8+s3], $0x80, v4, vm0, $0xb8;
	[tilespmem:$0x15A80] =	vst v63  }
0xa7: {  	v3 =	vadd.s32 v1, v3;
	s31 =	simm.s32 $0x2A00  }
0xa8: {  	[tilespmem:s31], [sflag:$0x2] =	stream.indirect_vreg.gather [hbm4b:s9+s3], $0x80, v4, vm0, $0xb8;
	[tilespmem:$0x15A80] =	vst v63  }
0xa9: {  	s31 =	simm.s32 $0x3200  }
0xaa: {  	[tilespmem:s31], [sflag:$0x2] =	stream.indirect_vreg.gather [hbm4b:s10+s3], $0x80, v4, vm0, $0xb8;
	[tilespmem:$0x15A80] =	vst v63  }
0xab: {  	s31 =	simm.s32 $0x3A00  }
0xac: {  	[tilespmem:s31], [sflag:$0x2] =	stream.indirect_vreg.gather [hbm4b:s2+s3], $0x80, v3, vm0, $0xb8;
	[tilespmem:$0x15A80] =	vst v63  }
0xad: {  	s31 =	simm.s32 $0x4200  }
0xae: {  	[tilespmem:s31], [sflag:$0x2] =	stream.indirect_vreg.gather [hbm4b:s8+s3], $0x80, v3, vm0, $0xb8;
	[tilespmem:$0x15A80] =	vst v63  }
0xaf: {  	s31 =	simm.s32 $0x4A00  }
0xb0: {  	[tilespmem:s31], [sflag:$0x2] =	stream.indirect_vreg.gather [hbm4b:s9+s3], $0x80, v3, vm0, $0xb8;
	[tilespmem:$0x15A80] =	vst v63  }
0xb1: {  	s31 =	simm.s32 $0x5200  }
0xb2: {  	[tilespmem:s31], [sflag:$0x2] =	stream.indirect_vreg.gather [hbm4b:s10+s3], $0x80, v3, vm0, $0xb8;
	[tilespmem:$0x15A80] =	vst v63  }
0xb3: {  	_ =	swait.ge [sflag:s12], $0x4000  }
0xb4: {  	[sflag:s12] =	ssyncset.done $0x0  }
0xb5: {  	s31 =	sadd.s32 $0x800, s14;
	[sflag:s12] =	ssyncadd.s32 $0xFFFFC000  }
0xb6: {  	[hbm4b:s31+s3] =	stream.linear.scatter [tilespmem:s26], [sflag:$0x8], $0x4000, $0x38;
	[tilespmem:$0x15A80] =	vst v63  }
0xb7: {  	_ =	swait.ge [sflag:s23], $0x4000  }
0xb8: {  	[sflag:s23] =	ssyncset.done $0x0  }
0xb9: {  	[sflag:s23] =	ssyncadd.s32 $0xFFFFC000  }
0xba: {  	v3 =	vld [tilespmem:s29+$0xFFFFFFD0];
	_ =	sdelay $0x4  }
0xbb: {  	v63 =	vshll.u32 v3, $0x3  }
0xbc: {  	v3 =	vand.u32 $0x7, v3;
	v4 =	vand.u32 $0xFFFFFFC0, v63  }
0xbd: {  	v3 =	vor.u32 v3, v4  }
0xbe: {  	v4 =	vperm.xlane v3, v0;
	_ =	sdelay $0x1  }
0xbf: {  	v4 =	vadd.s32 v1, v4;
	_ =	sdelay $0x4  }
0xc0: {  	[tilespmem:s26], [sflag:$0x3] =	stream.indirect_vreg.gather [hbm4b:s2+s3], $0x80, v4, vm0, $0xb8;
	[tilespmem:$0x15A80] =	vst v63  }
0xc1: {  	s31 =	simm.s32 $0x6200;
	v3 =	vperm.xlane v3, v2  }
0xc2: {  	[tilespmem:s31], [sflag:$0x3] =	stream.indirect_vreg.gather [hbm4b:s8+s3], $0x80, v4, vm0, $0xb8;
	[tilespmem:$0x15A80] =	vst v63  }
0xc3: {  	v3 =	vadd.s32 v1, v3;
	s31 =	simm.s32 $0x6A00  }
0xc4: {  	[tilespmem:s31], [sflag:$0x3] =	stream.indirect_vreg.gather [hbm4b:s9+s3], $0x80, v4, vm0, $0xb8;
	[tilespmem:$0x15A80] =	vst v63  }
0xc5: {  	s31 =	simm.s32 $0x7200  }
0xc6: {  	[tilespmem:s31], [sflag:$0x3] =	stream.indirect_vreg.gather [hbm4b:s10+s3], $0x80, v4, vm0, $0xb8;
	[tilespmem:$0x15A80] =	vst v63  }
0xc7: {  	s31 =	simm.s32 $0x7A00  }
0xc8: {  	[tilespmem:s31], [sflag:$0x3] =	stream.indirect_vreg.gather [hbm4b:s2+s3], $0x80, v3, vm0, $0xb8;
	[tilespmem:$0x15A80] =	vst v63  }
0xc9: {  	s31 =	simm.s32 $0x8200  }
0xca: {  	[tilespmem:s31], [sflag:$0x3] =	stream.indirect_vreg.gather [hbm4b:s8+s3], $0x80, v3, vm0, $0xb8;
	[tilespmem:$0x15A80] =	vst v63  }
0xcb: {  	s31 =	simm.s32 $0x8A00  }
0xcc: {  	[tilespmem:s31], [sflag:$0x3] =	stream.indirect_vreg.gather [hbm4b:s9+s3], $0x80, v3, vm0, $0xb8;
	[tilespmem:$0x15A80] =	vst v63  }
0xcd: {  	s31 =	simm.s32 $0x9200  }
0xce: {  	[tilespmem:s31], [sflag:$0x3] =	stream.indirect_vreg.gather [hbm4b:s10+s3], $0x80, v3, vm0, $0xb8;
	[tilespmem:$0x15A80] =	vst v63  }
.LBB2_5:
.Ltmp2:
0xcf: {  	(pc) =	sbr.rel @!p0 .LBB2_6-.Ltmp2, $4  }
0xd0: {  	_ =	swait.ge [sflag:s16], $0x4000  }
0xd1: {  	[sflag:s16] =	ssyncset.done $0x0  }
0xd2: {  	s31 =	sadd.s32 $0x1000, s14;
	[sflag:s16] =	ssyncadd.s32 $0xFFFFC000  }
0xd3: {  	[hbm4b:s31+s3] =	stream.linear.scatter [tilespmem:s5], [sflag:$0x9], $0x4000, $0x38;
	[tilespmem:$0x15A80] =	vst v63  }
.Ltmp3:
0xd4: {  	(pc) =	sbr.rel .LBB2_8-.Ltmp3, $4  }
0xd5: {  	_ =	swait.ge [sflag:s19], $0x4000  }
0xd6: {  	[sflag:s19] =	ssyncset.done $0x0  }
0xd7: {  	s31 =	rddreg [dreg:$0xa];
	[sflag:s19] =	ssyncadd.s32 $0xFFFFC000  }
0xd8: {  	[hbm4b:s31+s3] =	stream.linear.scatter [tilespmem:s20], [sflag:$0xA], $0x4000, $0x38;
	[tilespmem:$0x15A80] =	vst v63  }
.LBB2_6:
0xd9: {  	_ =	swait.ge [sflag:s24], $0x4000  }
0xda: {  	[sflag:s24] =	ssyncset.done $0x0  }
0xdb: {  	[sflag:s24] =	ssyncadd.s32 $0xFFFFC000  }
0xdc: {  	v3 =	vld [tilespmem:s29+$0xFFFFFFE0];
	_ =	sdelay $0x4  }
0xdd: {  	v4 =	vshll.u32 v3, $0x3  }
0xde: {  	v3 =	vand.u32 $0x7, v3;
	v4 =	vand.u32 $0xFFFFFFC0, v4  }
0xdf: {  	v3 =	vor.u32 v3, v4  }
0xe0: {  	v4 =	vperm.xlane v3, v0;
	_ =	sdelay $0x1  }
0xe1: {  	v4 =	vadd.s32 v1, v4;
	_ =	sdelay $0x4  }
0xe2: {  	[tilespmem:s5], [sflag:$0x4] =	stream.indirect_vreg.gather [hbm4b:s2+s3], $0x80, v4, vm0, $0xb8;
	[tilespmem:$0x15A80] =	vst v63  }
0xe3: {  	s31 =	simm.s32 $0xA200;
	v3 =	vperm.xlane v3, v2  }
0xe4: {  	[tilespmem:s31], [sflag:$0x4] =	stream.indirect_vreg.gather [hbm4b:s8+s3], $0x80, v4, vm0, $0xb8;
	[tilespmem:$0x15A80] =	vst v63  }
0xe5: {  	v3 =	vadd.s32 v1, v3;
	s31 =	simm.s32 $0xAA00  }
0xe6: {  	[tilespmem:s31], [sflag:$0x4] =	stream.indirect_vreg.gather [hbm4b:s9+s3], $0x80, v4, vm0, $0xb8;
	[tilespmem:$0x15A80] =	vst v63  }
0xe7: {  	s31 =	simm.s32 $0xB200  }
0xe8: {  	[tilespmem:s31], [sflag:$0x4] =	stream.indirect_vreg.gather [hbm4b:s10+s3], $0x80, v4, vm0, $0xb8;
	[tilespmem:$0x15A80] =	vst v63  }
0xe9: {  	s31 =	simm.s32 $0xBA00  }
0xea: {  	[tilespmem:s31], [sflag:$0x4] =	stream.indirect_vreg.gather [hbm4b:s2+s3], $0x80, v3, vm0, $0xb8;
	[tilespmem:$0x15A80] =	vst v63  }
0xeb: {  	s31 =	simm.s32 $0xC200  }
0xec: {  	[tilespmem:s31], [sflag:$0x4] =	stream.indirect_vreg.gather [hbm4b:s8+s3], $0x80, v3, vm0, $0xb8;
	[tilespmem:$0x15A80] =	vst v63  }
0xed: {  	s31 =	simm.s32 $0xCA00  }
0xee: {  	[tilespmem:s31], [sflag:$0x4] =	stream.indirect_vreg.gather [hbm4b:s9+s3], $0x80, v3, vm0, $0xb8;
	[tilespmem:$0x15A80] =	vst v63  }
0xef: {  	s31 =	simm.s32 $0xD200  }
0xf0: {  	[tilespmem:s31], [sflag:$0x4] =	stream.indirect_vreg.gather [hbm4b:s10+s3], $0x80, v3, vm0, $0xb8;
	[tilespmem:$0x15A80] =	vst v63  }
0xf1: {  	_ =	swait.ge [sflag:s19], $0x4000  }
0xf2: {  	[sflag:s19] =	ssyncset.done $0x0  }
0xf3: {  	s31 =	sadd.s32 $0x1800, s14;
	[sflag:s19] =	ssyncadd.s32 $0xFFFFC000  }
0xf4: {  	[hbm4b:s31+s3] =	stream.linear.scatter [tilespmem:s20], [sflag:$0xA], $0x4000, $0x38;
	[tilespmem:$0x15A80] =	vst v63  }
0xf5: {  	_ =	swait.ge [sflag:s25], $0x4000  }
0xf6: {  	[sflag:s25] =	ssyncset.done $0x0  }
0xf7: {  	[sflag:s25] =	ssyncadd.s32 $0xFFFFC000  }
0xf8: {  	v3 =	vld [tilespmem:s29+$0xFFFFFFF0];
	_ =	sdelay $0x4  }
0xf9: {  	v63 =	vshll.u32 v3, $0x3  }
0xfa: {  	v3 =	vand.u32 $0x7, v3;
	v4 =	vand.u32 $0xFFFFFFC0, v63  }
0xfb: {  	v3 =	vor.u32 v3, v4  }
0xfc: {  	v4 =	vperm.xlane v3, v0;
	_ =	sdelay $0x1  }
0xfd: {  	v4 =	vadd.s32 v1, v4;
	_ =	sdelay $0x4  }
0xfe: {  	[tilespmem:s20], [sflag:$0x5] =	stream.indirect_vreg.gather [hbm4b:s2+s3], $0x80, v4, vm0, $0xb8;
	[tilespmem:$0x15A80] =	vst v63  }
0xff: {  	s31 =	simm.s32 $0xE200;
	v3 =	vperm.xlane v3, v2  }
0x100: {  	[tilespmem:s31], [sflag:$0x5] =	stream.indirect_vreg.gather [hbm4b:s8+s3], $0x80, v4, vm0, $0xb8;
	[tilespmem:$0x15A80] =	vst v63  }
0x101: {  	v3 =	vadd.s32 v1, v3;
	s31 =	simm.s32 $0xEA00  }
0x102: {  	[tilespmem:s31], [sflag:$0x5] =	stream.indirect_vreg.gather [hbm4b:s9+s3], $0x80, v4, vm0, $0xb8;
	[tilespmem:$0x15A80] =	vst v63  }
0x103: {  	s31 =	simm.s32 $0xF200  }
0x104: {  	[tilespmem:s31], [sflag:$0x5] =	stream.indirect_vreg.gather [hbm4b:s10+s3], $0x80, v4, vm0, $0xb8;
	[tilespmem:$0x15A80] =	vst v63  }
0x105: {  	s31 =	simm.s32 $0xFA00  }
0x106: {  	[tilespmem:s31], [sflag:$0x5] =	stream.indirect_vreg.gather [hbm4b:s2+s3], $0x80, v3, vm0, $0xb8;
	[tilespmem:$0x15A80] =	vst v63  }
0x107: {  	s31 =	simm.s32 $0x10200  }
0x108: {  	[tilespmem:s31], [sflag:$0x5] =	stream.indirect_vreg.gather [hbm4b:s8+s3], $0x80, v3, vm0, $0xb8;
	[tilespmem:$0x15A80] =	vst v63  }
0x109: {  	s31 =	simm.s32 $0x10A00  }
0x10a: {  	[tilespmem:s31], [sflag:$0x5] =	stream.indirect_vreg.gather [hbm4b:s9+s3], $0x80, v3, vm0, $0xb8;
	[tilespmem:$0x15A80] =	vst v63  }
0x10b: {  	s31 =	simm.s32 $0x11200  }
0x10c: {  	[tilespmem:s31], [sflag:$0x5] =	stream.indirect_vreg.gather [hbm4b:s10+s3], $0x80, v3, vm0, $0xb8;
	[tilespmem:$0x15A80] =	vst v63  }
.LBB2_8:
.Ltmp4:
0x10d: {  	(pc) =	sbr.rel @p0 .LBB2_10-.Ltmp4, $4  }
0x10e: {  	_ =	swait.ge [sflag:s21], $0x4000  }
0x10f: {  	[sflag:s21] =	ssyncset.done $0x0  }
0x110: {  	s14 =	sadd.s32 $0x2000, s14;
	[sflag:s21] =	ssyncadd.s32 $0xFFFFC000  }
0x111: {  	[hbm4b:s14+s3] =	stream.linear.scatter [tilespmem:s30], [sflag:$0xB], $0x4000, $0x38;
	[tilespmem:$0x15A80] =	vst v63  }
0x112: {  	_ =	swait.ge [sflag:s28], $0x4000  }
0x113: {  	[sflag:s28] =	ssyncset.done $0x0  }
0x114: {  	[sflag:s28] =	ssyncadd.s32 $0xFFFFC000  }
0x115: {  	v3 =	vld [tilespmem:s29+$0x0];
	_ =	sdelay $0x4  }
0x116: {  	v4 =	vshll.u32 v3, $0x3  }
0x117: {  	v3 =	vand.u32 $0x7, v3;
	v4 =	vand.u32 $0xFFFFFFC0, v4  }
0x118: {  	v3 =	vor.u32 v3, v4  }
0x119: {  	v4 =	vperm.xlane v3, v0;
	_ =	sdelay $0x1  }
0x11a: {  	v4 =	vadd.s32 v1, v4;
	_ =	sdelay $0x4  }
0x11b: {  	[tilespmem:s30], [sflag:$0x6] =	stream.indirect_vreg.gather [hbm4b:s2+s3], $0x80, v4, vm0, $0xb8;
	[tilespmem:$0x15A80] =	vst v63  }
0x11c: {  	s14 =	simm.s32 $0x12200;
	v3 =	vperm.xlane v3, v2  }
0x11d: {  	[tilespmem:s14], [sflag:$0x6] =	stream.indirect_vreg.gather [hbm4b:s8+s3], $0x80, v4, vm0, $0xb8;
	[tilespmem:$0x15A80] =	vst v63  }
0x11e: {  	v3 =	vadd.s32 v1, v3  }
0x11f: {  	[tilespmem:s1], [sflag:$0x6] =	stream.indirect_vreg.gather [hbm4b:s9+s3], $0x80, v4, vm0, $0xb8;
	[tilespmem:$0x15A80] =	vst v63  }
0x120: {  	_ = 	snop  }
0x121: {  	[tilespmem:s0], [sflag:$0x6] =	stream.indirect_vreg.gather [hbm4b:s10+s3], $0x80, v4, vm0, $0xb8;
	[tilespmem:$0x15A80] =	vst v63  }
0x122: {  	_ = 	snop  }
0x123: {  	[tilespmem:s4], [sflag:$0x6] =	stream.indirect_vreg.gather [hbm4b:s2+s3], $0x80, v3, vm0, $0xb8;
	[tilespmem:$0x15A80] =	vst v63  }
0x124: {  	_ = 	snop  }
0x125: {  	[tilespmem:s6], [sflag:$0x6] =	stream.indirect_vreg.gather [hbm4b:s8+s3], $0x80, v3, vm0, $0xb8;
	[tilespmem:$0x15A80] =	vst v63  }
.Ltmp5:
0x126: {  	_ = 	snop;
	(pc) =	sbr.rel .LBB2_2-.Ltmp5, $4  }
0x127: {  	_ = 	snop  }
0x128: {  	[tilespmem:s7], [sflag:$0x6] =	stream.indirect_vreg.gather [hbm4b:s9+s3], $0x80, v3, vm0, $0xb8;
	[tilespmem:$0x15A80] =	vst v63  }
0x129: {  	s13 =	sadd.s32 $0x2800, s13;
	s29 =	sadd.s32 $0x50, s29  }
0x12a: {  	[tilespmem:s11], [sflag:$0x6] =	stream.indirect_vreg.gather [hbm4b:s10+s3], $0x80, v3, vm0, $0xb8;
	[tilespmem:$0x15A80] =	vst v63  }
.LBB2_10:
0x12b: {  	_ =	swait.ge [sflag:s22], $0x4000  }
0x12c: {  	[sflag:s22] =	ssyncset.done $0x0  }
0x12d: {  	[sflag:s22] =	ssyncadd.s32 $0xFFFFC000  }
0x12e: {  	_ =	swait.ge [sflag:s23], $0x4000  }
0x12f: {  	[sflag:s23] =	ssyncset.done $0x0  }
0x130: {  	[sflag:s23] =	ssyncadd.s32 $0xFFFFC000  }
0x131: {  	_ =	swait.ge [sflag:s24], $0x4000  }
0x132: {  	[sflag:s24] =	ssyncset.done $0x0  }
0x133: {  	[sflag:s24] =	ssyncadd.s32 $0xFFFFC000  }
0x134: {  	_ =	swait.ge [sflag:s25], $0x4000  }
0x135: {  	[sflag:s25] =	ssyncset.done $0x0  }
0x136: {  	[sflag:s25] =	ssyncadd.s32 $0xFFFFC000  }
0x137: {  	_ =	swait.ge [sflag:s28], $0x4000  }
0x138: {  	[sflag:s28] =	ssyncset.done $0x0  }
0x139: {  	s13 =	simm.s32 $0x1;
	[sflag:s28] =	ssyncadd.s32 $0xFFFFC000  }
0x13a: {  	_ =	swait.ge [sflag:s13], $0x640  }
0x13b: {  	[sflag:s13] =	ssyncset.done $0x0  }
0x13c: {  	[sflag:s13] =	ssyncadd.s32 $0xFFFFF9C0  }
0x13d: {  	_ =	swait.ge [sflag:s13], $0x640  }
0x13e: {  	[sflag:s13] =	ssyncset.done $0x0  }
0x13f: {  	s14 =	simm.s32 $0x0;
	[sflag:s13] =	ssyncadd.s32 $0xFFFFF9C0  }
0x140: {  	v4 =	vld [tilespmem:s14+$0x1380]  }
0x141: {  	v3 =	vimm.f32 $0.0e+00;
	s13 =	simm.s32 $0x40;
	v5 =	vld [tilespmem:s14+$0xD00]  }
.LBB2_11:
0x142: {  	_ = 	snop  }
0x143: {  	p0 =	sne.s32 s13, $0x18C0  }
.Ltmp6:
0x144: {  	_ = 	snop;
	(pc) =	sbr.rel @p0 .LBB2_11-.Ltmp6, $4  }
0x145: {  	_ = 	snop  }
0x146: {  	s14 =	sshra.s32 s13, $0x2;
	v6 =	vsub.f32 v4, v5  }
0x147: {  	v4 =	vld [tilespmem:s14+$0x1380]  }
0x148: {  	s13 =	sadd.s32 $0x40, s13;
	v5 =	vld [tilespmem:s14+$0xD00];
	v3 =	vadd.f32 v6, v3  }
0x149: {  	_ =	sdelay $0x3  }
0x14a: {  	v4 =	vsub.f32 v4, v5;
	_ =	sdelay $0x1  }
0x14b: {  	v3 =	vadd.f32 v4, v3;
	_ =	sdelay $0x1  }
0x14c: {  	s13 =	rddreg [dreg:$0x7];
	s14 =	simm.s32 $0x15A00;
	[tilespmem:$0x15A00] =	vst v3  }
0x14d: {  	[hbm4b:s13+s3] =	stream.linear.scatter [tilespmem:s14], [sflag:$0xC], $0x80, $0x38;
	[tilespmem:$0x15A80] =	vst v63  }
0x14e: {  	s14 =	simm.s32 $0xC  }
0x14f: {  	_ =	swait.ge [sflag:s14], $0x80  }
0x150: {  	s29 =	rddreg [dreg:$0xb]  }
0x151: {  	s31 =	rddreg [dreg:$0x8];
	s29 =	sadd.s32 $0x1, s29  }
0x152: {  	p0 =	sne.s32 s29, s31  }
.Ltmp7:
0x153: {  	_ = 	snop;
	(pc) =	sbr.rel @p0 .LBB2_1-.Ltmp7, $3  }
0x154: {  	_ =	sdelay $0x1  }
0x155: {  	[sflag:s14] =	ssyncset.done $0x0  }
0x156: {  	[sflag:s14] =	ssyncadd.s32 $0xFFFFFF80  }
0x157: {  	_ =	sfence.sel $0x180000  }
0x158: {  	[bflag:$0x0] =	sbarrier.arrive $0xFFFF  }
0x159: {  	_ =	strace $0x90000047  }
0x15a: {  	s0 =	stileid.u32;
	[bflag:$0x2] =	sbarrier.arrive $0xFFFF  }
0x15b: {  	p0 =	sne.s32 s0, $0x0;
	s0 =	rddreg [dreg:$0x2]  }
0x15c: {  	s0 =	sadd.s32 @!p0 $0x100000, s0  }
0x15d: {  	[sflag:s0] =	ssyncadd.tile.s32 @!p0 $0x1;
	_ =	shalt  }
.Lfunc_end2:
_tile_overlayer_lowered:
.L_overlay_start_2:
0x15e: {  	(tag) =	ssettag $0x2  }
0x15f: {  	s0 =	rddreg [dreg:$0x0];
	s2 =	stileid.u32  }
0x160: {  	s1 =	rddreg [dreg:$0x1];
	p0 =	sne.s32 s2, $0x0  }
0x161: {  	s3 =	rddreg [dreg:$0x2];
	[bflag:$0x3] =	sbarrier.arrive $0xFFFF;
	s2 =	simm.s32 @!p0 $0x1C0C  }
0x162: {  	[timem:s3], [sflag:s2] =	dma.local @!p0 [hbm:s0], s1  }
0x163: {  	s0 =	simm.s32 @!p0 $0xC  }
0x164: {  	_ =	swait.ge @!p0 [sflag:s0], s1  }
0x165: {  	s1 =	ssub.s32 @!p0 $0x0, s1;
	[sflag:s0] =	ssyncset.done @!p0 $0x0  }
0x166: {  	[sflag:s0] =	ssyncadd.s32 @!p0 s1  }
0x167: {  	[bflag:$0x3] =	sbarrier.arrive $0xFFFF  }
0x168: {  	_ =	shalt  }

// kernel: sparse-core-data-format-call.cloned.1.call-start
scs
called_computation_lowered:
.L_overlay_start_0:
0x0: {  	s2 =	sld [smem:$0x3FD9]  }
0x1: {  	s3 =	sld [smem:$0x3FFE];
	_ =	sdelay $0x1  }
0x2: {  	s1 =	srdreg.scid  }
0x3: {  	s0 =	sand.u32 $0x1, s1  }
0x4: {  	s15 =	sshll.u32 s0, $0xA;
	s2 =	sadd.s32 s3, s2  }
0x5: {  	s2 =	sadd.s32 s2, s15  }
0x6: {  	[smem:$0x3FC5] =	sst s2  }
0x7: {  	_ = 	snop  }
0x8: {  	s2 =	sld [smem:$0x3FD0];
	_ =	sdelay $0x2  }
0x9: {  	s16 =	simm.s32 $0xA;
	s4 =	simm.s32 $0x10  }
0xa: {  	[smem:s4], [sflag:s16] =	dma.local [hbm:s2], $0x1  }
0xb: {  	_ =	swait.eq [sflag:s16], $0x1  }
0xc: {  	[sflag:s16] =	ssyncset.done $0x0  }
0xd: {  	[sflag:s16] =	ssyncadd.s32 $0xFFFFFFFF  }
0xe: {  	s17 =	sld [smem:$0x10];
	(tm) =	ssettm $0x1  }
0xf: {  	s18 =	sld [smem:$0x3FFB];
	_ =	sdelay $0x3  }
0x10: {  	_ =	strace s18  }
0x11: {  	s3 =	sld [smem:$0x3FFC];
	_ =	sdelay $0x3  }
0x12: {  	_ =	strace s3  }
0x13: {  	s3 =	sld [smem:$0x3FFD];
	_ =	sdelay $0x3  }
0x14: {  	_ =	strace s3  }
0x15: {  	_ =	strace $0x8FFFFFFF  }
0x16: {  	s19 =	sld [smem:$0x3FDB];
	_ =	sdelay $0x1  }
0x17: {  	s20 =	simm.s32 $_scs_section_size  }
0x18: {  	s5 =	simm.s32 $_size__tile_overlayer_lowered;
	s6 =	simm.s32 $_tile_overlayer_lowered  }
0x19: {  	s23 =	simm.s32 $0x1BFF;
	s22 =	sshll.u32 s6, $0x1;
	s3 =	sadd.s32 s20, s19  }
0x1a: {  	s7 =	simm.s32 $0x0;
	s21 =	sshll.u32 s5, $0x1;
	s5 =	sadd.s32 s22, s3  }
0x1b: {  	[timem:s7], [sflag:s23] =	dma.local [hbm:s5], s21  }
0x1c: {  	_ =	swait.ge [sflag:s23], s21  }
0x1d: {  	s4 =	ssub.s32 $0x0, s21;
	[sflag:s23] =	ssyncset.done $0x0  }
0x1e: {  	[sflag:s23] =	ssyncadd.s32 s4;
	_ =	sdelay $0x1  }
0x1f: {  	s24 =	simm.s32 $0x1B8B  }
0x20: {  	_ =	swait.ge [sflag:s24], $0x1  }
0x21: {  	[sflag:s24] =	ssyncset.done $0x0  }
0x22: {  	s26 =	simm.s32 $0x1B8E;
	s25 =	sld [smem:$0x3FFE];
	[sflag:s24] =	ssyncadd.s32 $0xFFFFFFFF  }
0x23: {  	s27 =	simm.s32 $execute0_lowered;
	[smem:$0x3FD2] =	sst s26  }
0x24: {  	s5 =	sshll.u32 s27, $0x1;
	_ =	strace $0x80000049;
	[dreg:$0x1] =	wrdreg $0xFFFFFFFF  }
0x25: {  	s28 =	simm.s32 $_size_execute0_lowered;
	s3 =	sadd.s32 s3, s5;
	[dreg:$0x0] =	wrdreg $0x0  }
0x26: {  	s5 =	sshll.u32 s28, $0x1;
	[dreg:$0x2] =	wrdreg s3  }
0x27: {  	[dreg:$0x3] =	wrdreg s5  }
0x28: {  	[dreg:$0x4] =	wrdreg $0xC0  }
0x29: {  	_ =	task [dreg:s7], $0x5FFFF  }
0x2a: {  	[dreg:$0x1] =	wrdreg $0xFFFFFFFF  }
0x2b: {  	[dreg:$0x0] =	wrdreg $0x60  }
0x2c: {  	[dreg:$0x2] =	wrdreg s25  }
0x2d: {  	[dreg:$0x3] =	wrdreg s17  }
0x2e: {  	[dreg:$0x4] =	wrdreg $0x9  }
0x2f: {  	_ =	task.clear_ibuf [dreg:s7], $0x5FFFF;
	_ =	strace $0x90000049  }
0x30: {  	s29 =	simm.s32 $0x9;
	_ =	strace $0x8000004B  }
0x31: {  	_ =	swait.ge [sflag:s29], $0x1  }
0x32: {  	[sflag:s29] =	ssyncadd.s32 $0xFFFFFFFF  }
0x33: {  	_ =	strace $0x9000004B  }
0x34: {  	_ =	sfence  }
0x35: {  	s30 =	sld [smem:$0x0];
	_ =	sdelay $0x2  }
0x36: {  	s31 =	sshll.u32 s1, $0xD;
	s1 =	sshrl.u32 s1, $0x2  }
0x37: {  	s3 =	sand.u32 $0x4000, s31;
	s1 =	sadd.s32 s1, s30  }
0x38: {  	s0 =	sor.u32 s3, s0;
	s1 =	sshll.u32 s1, $0x11  }
0x39: {  	s0 =	sor.u32 s1, s0  }
0x3a: {  	s0 =	sadd.s32 $0x8F2B, s0  }
0x3b: {  	[sflag:s0] =	ssyncadd.remote.s32 $0x1  }
0x3c: {  	_ =	sfence.sel $0xFFFF  }
0x3d: {  	[dreg:$0x0] =	wrdreg $0xFFFFFFFF;
	(pc) =	sbr.abs _section_cstart, $3  }
0x3e: {  	[dreg:$0x1] =	wrdreg $0xFFFFFFFF  }
0x3f: {  	_ =	task.clear_ibuf [dreg:s7], $0x2FFFF;
	_ =	strace $0x9FFFFFFF  }
0x40: {  	(tm) =	ssettm $0x7FFFFFFF  }
0x41: {  	_ =	shalt  }
tec
execute0_lowered:
.L_overlay_start_1:
0x0: {  	(tag) =	ssettag $0x1  }
0x1: {  	s4 =	rddreg [dreg:$0x0]  }
0x2: {  	s2 =	rddreg [dreg:$0x1];
	s1 =	stileid.u32  }
0x3: {  	s3 =	srdreg.scid;
	s0 =	rddreg [dreg:$0x2];
	_ =	strace $0x8000004A  }
0x4: {  	s10 =	simm.s32 $0x2;
	s14 =	simm.s32 $0x0;
	s16 =	simm.s32 $0x0  }
0x5: {  	s12 =	simm.s32 $0x0;
	s15 =	simm.s32 $0x0;
	s3 =	sshll.u32 s3, $0x4  }
0x6: {  	s5 =	sshll.u32 s1, $0x7;
	s4 =	sadd.s32 $0x23400, s4;
	s6 =	sand.u32 $0x10, s3  }
0x7: {  	s3 =	sand.u32 $0x180, s5;
	s5 =	simm.s32 $0x1;
	s8 =	sor.u32 s1, s6  }
0x8: {  	s31 =	ssub.s32 $0xC800, s3;
	[sflag:s5] =	ssyncpa.u1 $0x0;
	s13 =	smov.u32 s3  }
.Ltmp0:
0x9: {  	s7 =	sshll.u32 s8, $0x5;
	s9 =	sand.u32 $0x180, s31;
	(pc) =	sbr.rel .LBB1_1-.Ltmp0, $4  }
0xa: {  	s11 =	sshrl.u32 s31, $0x9;
	p0 =	sne.s32 s9, $0x0;
	s9 =	simm.s32 $0x1  }
0xb: {  	[sflag:s10] =	ssyncpa.u1 $0x0;
	s8 =	sshll.u32 s8, $0x8;
	s9 =	simm.s32 @!p0 $0x0  }
0xc: {  	s10 =	simm.s32 $0x64000;
	s6 =	sand.u32 $0x380, s7;
	s7 =	sadd.s32 s9, s11  }
0xd: {  	p0 =	por $0x0, $0x0;
	s11 =	simm.s32 $0x0;
	s9 =	sadd.s32 $0x1, s7  }
.LBB1_4:
0xe: {  	s22 =	sshrl.u32 s11, $0x3  }
0xf: {  	s23 =	sshll.u32 s12, $0x3;
	s24 =	sand.u32 $0x7F, s12;
	s22 =	smul.u32 $0x64000, s22  }
0x10: {  	v5 =	vld [tilespmem:s18+$0xFFFFFFD0];
	s21 =	sshra.s32 s21, $0x2;
	s25 =	sshra.s32 s12, $0x1F;
	s23 =	sand.u32 $0xFFFFFC00, s23  }
0x11: {  	[tilespmem:s20+$0x2040 ss:$0x81] =	vst.msk $0xffff, v4;
	v58 =	vld [tilespmem:s18+$0xFFFFFFE0];
	p1 =	sgt.s32 s12, $0xC780;
	s25 =	sand.u32 s25, s12;
	s22 =	sadd.s32 s23, s22  }
0x12: {  	[tilespmem:s20+$0x2850 ss:$0x81] =	vst.msk $0xffff, v3;
	v59 =	vld [tilespmem:s18+$0xFFFFFFF0];
	s23 =	sor.u32 s24, s22;
	s22 =	smulhi.u32 $0x51EB851F, s22;
	s24 =	smov.u32 s12  }
0x13: {  	[tilespmem:s20+$0x3060 ss:$0x81] =	vst.msk $0xffff, v2;
	v60 =	vld [tilespmem:s18+$0x0];
	s19 =	sadd.s32 s21, s19;
	s26 =	smulhi.u32 $0x51EB851F, s23;
	s24 =	simm.s32 @!p1 $0xC780  }
0x14: {  	[tilespmem:s20+$0x0 ss:$0x81] =	vst.msk $0xffff, v0;
	v61 =	vld [tilespmem:s18+$0x10];
	p1 =	sgt.s32 s11, $0x368;
	s28 =	sshrl.u32 s22, $0xE;
	s29 =	ssub.s32 s24, s25  }
0x15: {  	[tilespmem:s19+$0x3870 ss:$0x81] =	vst.msk $0xffff, v1;
	s30 =	sshrl.u32 s26, $0xE;
	s31 =	smulhi.u32 $0x418938, s28;
	s25 =	sadd.s32 $0xFFFF3880, s29  }
0x16: {  	v62 =	vld [tilespmem:s18+$0x20];
	[tilespmem:s19+$0x810 ss:$0x81] =	vst.msk $0xffff, v5;
	s22 =	smul.u32 $0xC800, s30;
	p2 =	sgt.s32 s25, $0x7F;
	s25 =	smov.u32 s11  }
0x17: {  	v63 =	vld [tilespmem:s18+$0xFFFFFFC0];
	[tilespmem:s19+$0x1020 ss:$0x81] =	vst.msk $0xffff, v58;
	s21 =	ssub.s32 $0xC800, s29;
	s25 =	simm.s32 @!p1 $0x368;
	s26 =	smul.u32 $0x3E8, s31  }
0x18: {  	[tilespmem:s19+$0x1830 ss:$0x81] =	vst.msk $0xffff, v59;
	s21 =	simm.s32 @p2 $0x0;
	s27 =	ssub.s32 $0x3E8, s25  }
0x19: {  	[tilespmem:s19+$0x2040 ss:$0x81] =	vst.msk $0xffff, v60;
	s22 =	ssub.s32 s23, s22;
	s18 =	ssub.s32 s28, s26;
	s28 =	smul.u32 s27, s21  }
0x1a: {  	[tilespmem:s19+$0x2850 ss:$0x81] =	vst.msk $0xffff, v61;
	s29 =	sshrl.u32 s22, $0x3;
	s22 =	sand.u32 $0x7, s22;
	s18 =	smul.u32 $0x1900, s18  }
0x1b: {  	[tilespmem:s19+$0x3060 ss:$0x81] =	vst.msk $0xffff, v62;
	s21 =	sadd.s32 s2, s29;
	s22 =	sshll.u32 s22, $0x12  }
0x1c: {  	[tilespmem:s19+$0x0 ss:$0x81] =	vst.msk $0xffff, v63;
	s30 =	sand.u32 $0x3FFFFFF8, s28;
	s31 =	sor.u32 $0x400, s22;
	s18 =	sadd.s32 s18, s21  }
0x1d: {  	[hbm4b:s18+s31] =	stream.strided.scatter [tilespmem:s17], [sflag:$0x2], s30, s10, s31, $0x20;
	[tilespmem:$0x10100] =	vst v63  }
.LBB1_5:
0x1e: {  	p1 =	slt.u32 s15, $0x2  }
0x1f: {  	p2 =	sgt.s32 @!p1 s16, $0xC780  }
0x20: {  	s17 =	smov.u32 s16;
	s18 =	sshra.s32 @!p1 s16, $0x1F;
	p2 =	por !p2, p1  }
0x21: {  	s16 =	sand.u32 @!p1 s18, s16;
	s17 =	simm.s32 @p2 $0xC780  }
0x22: {  	s16 =	ssub.s32 @!p1 s17, s16  }
0x23: {  	p2 =	sgt.s32 @!p1 s14, $0x368;
	s17 =	sadd.s32 @!p1 $0xFFFF3880, s16  }
0x24: {  	s18 =	sadd.s32 $0x200, s13;
	p2 =	por !p2, p1;
	p3 =	sgt.s32 @!p1 s17, $0x7F  }
0x25: {  	s14 =	simm.s32 @p2 $0x368;
	s16 =	ssub.s32 @!p1 $0xC800, s16;
	p2 =	por !p3, p1  }
0x26: {  	s14 =	ssub.s32 @!p1 $0x3E8, s14;
	s16 =	simm.s32 @!p2 $0x0;
	p2 =	sgt.s32 s18, $0xC7FF  }
0x27: {  	s14 =	smul.u32 @!p1 s14, s16;
	s18 =	smov.u32 @p2 s3;
	p2 =	sne.s32 s15, s9  }
.Ltmp1:
0x28: {  	s20 =	sadd.s32 $0x1, s15;
	p0 =	por !p0, !p0;
	(pc) =	sbr.rel @!p2 .LBB1_6-.Ltmp1, $4  }
0x29: {  	s17 =	simm.s32 @!p1 $0x2;
	s16 =	smov.u32 s12;
	s14 =	sand.u32 @!p1 $0x3FFFFFFF, s14  }
0x2a: {  	s12 =	smov.u32 s13;
	s15 =	smov.u32 s20;
	_ =	swait.ge @!p1 [sflag:s17], s14  }
0x2b: {  	s13 =	smov.u32 s18;
	s19 =	ssub.s32 @!p1 $0x0, s14;
	[sflag:s17] =	ssyncset.done @!p1 $0x0  }
0x2c: {  	s14 =	smov.u32 s11;
	s11 =	smov.u32 s6;
	[sflag:s17] =	ssyncadd.s32 @!p1 s19  }
.LBB1_1:
0x2d: {  	p1 =	sge.u32 s15, s7  }
0x2e: {  	s17 =	sshll.u32 @!p1 s13, $0xA  }
0x2f: {  	s17 =	sand.u32 @!p1 $0xFFFFE000, s17  }
0x30: {  	s17 =	sor.u32 @!p1 s8, s17  }
0x31: {  	s17 =	sshrl.u32 @!p1 s17, $0xA  }
0x32: {  	s18 =	smulhi.u32 @!p1 $0x28F5C3, s17;
	_ =	sdelay $0x1  }
0x33: {  	s18 =	sshrl.u32 @!p1 s18, $0x5  }
0x34: {  	s18 =	smul.u32 @!p1 $0xC800, s18  }
0x35: {  	s31 =	sadd.s32 $0xFFFFFFFF, s15;
	s19 =	sxor.u32 @!p1 $0xFFFFFFFF, s15;
	s20 =	sshll.u32 @!p1 s13, $0x4  }
0x36: {  	s19 =	sshll.u32 @!p1 s19, $0xE;
	s17 =	ssub.s32 @!p1 s17, s18;
	s18 =	sand.u32 @!p1 $0x70, s20  }
0x37: {  	s19 =	sand.u32 @!p1 $0x4000, s19;
	s17 =	sshll.u32 @!p1 s17, $0x7;
	s18 =	sadd.s32 @!p1 s4, s18  }
0x38: {  	s20 =	simm.s32 @!p1 $0x2000;
	s17 =	sadd.s32 @!p1 s17, s18;
	s18 =	simm.s32 @!p1 $0x400  }
0x39: {  	[tilespmem:s19], [sflag:$0x1] =	stream.strided.gather @!p1 [hbm4b:s17+s18], $0x4000, s20, s18, $0x38;
	[tilespmem:$0x10100] =	vst v63  }
0x3a: {  	p1 =	sge.u32 s31, s7  }
.Ltmp2:
0x3b: {  	_ = 	snop;
	(pc) =	sbr.rel @p1 .LBB1_5-.Ltmp2, $1  }
0x3c: {  	_ =	sdelay $0x3  }
0x3d: {  	s17 =	simm.s32 $0x1  }
0x3e: {  	_ =	swait.ge [sflag:s5], $0x4000;
	s17 =	simm.s32 @!p0 $0x0  }
0x3f: {  	[sflag:s5] =	ssyncset.done $0x0;
	s18 =	sshll.u32 s17, $0xE  }
0x40: {  	[sflag:s5] =	ssyncadd.s32 $0xFFFFC000;
	s18 =	sor.u32 $0x40, s18  }
0x41: {  	s17 =	smul.u32 $0x10200, s17;
	v0 =	vld [tilespmem:s18+$0x30]  }
0x42: {  	v1 =	vld [tilespmem:s18+$0xFFFFFFD0]  }
0x43: {  	s17 =	sshrl.u32 s17, $0x2;
	v5 =	vld [tilespmem:s18+$0xFFFFFFE0]  }
0x44: {  	v6 =	vld [tilespmem:s18+$0xFFFFFFF0];
	s19 =	sor.u32 $0x8000, s17  }
0x45: {  	s31 =	sand.u32 $0x1, s15;
	v4 =	vld [tilespmem:s18+$0x0];
	s20 =	sadd.s32 $0x0, s19  }
0x46: {  	v3 =	vld [tilespmem:s18+$0x10];
	s17 =	smul.u32 $0x10200, s31;
	[tilespmem:s20+$0x3870 ss:$0x81] =	vst.msk $0xffff, v0  }
0x47: {  	v2 =	vld [tilespmem:s18+$0x20];
	[tilespmem:s20+$0x810 ss:$0x81] =	vst.msk $0xffff, v1  }
0x48: {  	s17 =	sshrl.u32 s17, $0x2;
	v0 =	vld [tilespmem:s18+$0xFFFFFFC0];
	[tilespmem:s20+$0x1020 ss:$0x81] =	vst.msk $0xffff, v5;
	s18 =	sadd.s32 $0x80, s18  }
0x49: {  	s21 =	simm.s32 $0x4;
	s22 =	simm.s32 $0x8;
	s17 =	sor.u32 $0x8000, s17;
	[tilespmem:s20+$0x1830 ss:$0x81] =	vst.msk $0xffff, v6;
	v1 =	vld [tilespmem:s18+$0x30]  }
.LBB1_3:
0x4a: {  	p1 =	sne.s32 s22, $0x1FC;
	v5 =	vld [tilespmem:s18+$0xFFFFFFD0];
	[tilespmem:s20+$0x2040 ss:$0x81] =	vst.msk $0xffff, v4  }
0x4b: {  	v6 =	vld [tilespmem:s18+$0xFFFFFFE0];
	[tilespmem:s20+$0x2850 ss:$0x81] =	vst.msk $0xffff, v3  }
0x4c: {  	s23 =	sshra.s32 s21, $0x2;
	s21 =	smov.u32 s22;
	v7 =	vld [tilespmem:s18+$0xFFFFFFF0];
	[tilespmem:s20+$0x3060 ss:$0x81] =	vst.msk $0xffff, v2  }
.Ltmp3:
0x4d: {  	v4 =	vld [tilespmem:s18+$0x0];
	[tilespmem:s20+$0x0 ss:$0x81] =	vst.msk $0xffff, v0;
	s20 =	sadd.s32 s23, s19;
	(pc) =	sbr.rel @p1 .LBB1_3-.Ltmp3, $4  }
0x4e: {  	v3 =	vld [tilespmem:s18+$0x10];
	[tilespmem:s20+$0x3870 ss:$0x81] =	vst.msk $0xffff, v1  }
0x4f: {  	[tilespmem:s20+$0x810 ss:$0x81] =	vst.msk $0xffff, v5;
	v2 =	vld [tilespmem:s18+$0x20]  }
0x50: {  	v0 =	vld [tilespmem:s18+$0xFFFFFFC0];
	[tilespmem:s20+$0x1020 ss:$0x81] =	vst.msk $0xffff, v6;
	s18 =	sadd.s32 $0x80, s18  }
0x51: {  	s22 =	sadd.s32 $0x4, s22;
	v1 =	vld [tilespmem:s18+$0x30];
	[tilespmem:s20+$0x1830 ss:$0x81] =	vst.msk $0xffff, v7  }
.Ltmp4:
0x52: {  	_ = 	snop;
	(pc) =	sbr.rel .LBB1_4-.Ltmp4, $1  }
0x53: {  	_ =	sdelay $0x3  }
.LBB1_6:
0x54: {  	_ =	sfence.sel $0x180000  }
0x55: {  	s2 =	simm.s32 $0x1;
	[bflag:$0x0] =	sbarrier.arrive $0xFFFF  }
0x56: {  	s31 =	simm.s32 $0x2;
	[sflag:s2] =	ssyncpa.u1 $0x1  }
0x57: {  	[sflag:s31] =	ssyncpa.u1 $0x1  }
0x58: {  	p0 =	sne.s32 s1, $0x0;
	_ =	strace $0x9000004A  }
0x59: {  	s0 =	sadd.s32 @!p0 $0x100000, s0;
	[bflag:$0x2] =	sbarrier.arrive $0xFFFF  }
0x5a: {  	[sflag:s0] =	ssyncadd.tile.s32 @!p0 $0x1;
	_ =	shalt  }
.Lfunc_end1:
_tile_overlayer_lowered:
.L_overlay_start_2:
0x5b: {  	(tag) =	ssettag $0x2  }
0x5c: {  	s0 =	rddreg [dreg:$0x0];
	s2 =	stileid.u32  }
0x5d: {  	s1 =	rddreg [dreg:$0x1];
	p0 =	sne.s32 s2, $0x0  }
0x5e: {  	s3 =	rddreg [dreg:$0x2];
	[bflag:$0x3] =	sbarrier.arrive $0xFFFF;
	s2 =	simm.s32 @!p0 $0x1C01  }
0x5f: {  	[timem:s3], [sflag:s2] =	dma.local @!p0 [hbm:s0], s1  }
0x60: {  	s0 =	simm.s32 @!p0 $0x1  }
0x61: {  	_ =	swait.ge @!p0 [sflag:s0], s1  }
0x62: {  	s1 =	ssub.s32 @!p0 $0x0, s1;
	[sflag:s0] =	ssyncset.done @!p0 $0x0  }
0x63: {  	[sflag:s0] =	ssyncadd.s32 @!p0 s1  }
0x64: {  	[bflag:$0x3] =	sbarrier.arrive $0xFFFF  }
0x65: {  	_ =	shalt  }

</sc_bundles>
